<compile_context>
chip_gen: v7x
topology: tpu7x:2x2x1
jax: 0.10.2.dev20260603
libtpu: 0.0.44.dev20260713+nightly
codegen_flags: <defaults>
</compile_context>

<pallas_src>
import functools

import jax
import jax.numpy as jnp
from jax import lax
from jax.experimental import pallas as pl
from jax.experimental.pallas import tpu as pltpu
from jax.experimental.pallas import tpu_sc as plsc

N = 10000
E = 320000
D = 128
DE = 4
H = 4
HD = D // H

NC = 2
NS = 16
NW = NC * NS
EPW = E // NW
K = 80
NCHUNK = EPW // K
NP = 10240
ROWS_PER_TILE = NP // NS
RJ = ROWS_PER_TILE // K
NPP = 1280
PROWS_PER_TILE = NPP // NS

_mesh = plsc.VectorSubcoreMesh(core_axis_name="c", subcore_axis_name="s",
                               num_cores=NC, num_subcores=NS)


def _proj_body(x_ref, ws_ref, bs_ref, wr_ref, br_ref, hs_ref, hr_ref):
    xb = x_ref[...]
    hs = jnp.dot(xb, ws_ref[...], preferred_element_type=jnp.float32) + bs_ref[...]
    hr = jnp.dot(xb, wr_ref[...], preferred_element_type=jnp.float32) + br_ref[...]
    hs_ref[...] = hs
    hr_ref[...] = hr


def _project(x, Ws, bs2, Wr, br2):
    nb = 1000
    grid = (N // nb,)
    return pl.pallas_call(
        _proj_body,
        grid=grid,
        in_specs=[
            pl.BlockSpec((nb, D), lambda i: (i, 0)),
            pl.BlockSpec((D, D), lambda i: (0, 0)),
            pl.BlockSpec((1, D), lambda i: (0, 0)),
            pl.BlockSpec((D, D), lambda i: (0, 0)),
            pl.BlockSpec((1, D), lambda i: (0, 0)),
        ],
        out_specs=[
            pl.BlockSpec((nb, D), lambda i: (i, 0)),
            pl.BlockSpec((nb, D), lambda i: (i, 0)),
        ],
        out_shape=[
            jax.ShapeDtypeStruct((N, D), jnp.float32),
            jax.ShapeDtypeStruct((N, D), jnp.float32),
        ],
    )(x, Ws, bs2, Wr, br2)


NPAIR = (NCHUNK - 1) // 2 * 2


@functools.partial(
    pl.kernel,
    out_type=(
        jax.ShapeDtypeStruct((E, D), jnp.float32),
        jax.ShapeDtypeStruct((E, D), jnp.float32),
    ),
    mesh=_mesh,
    scratch_types=[
        pltpu.VMEM((K,), jnp.int32), pltpu.VMEM((K,), jnp.int32),
        pltpu.VMEM((K,), jnp.int32), pltpu.VMEM((K,), jnp.int32),
        pltpu.VMEM((K, D), jnp.float32), pltpu.VMEM((K, D), jnp.float32),
        pltpu.VMEM((K, D), jnp.float32), pltpu.VMEM((K, D), jnp.float32),
        pltpu.SemaphoreType.DMA, pltpu.SemaphoreType.DMA,
        pltpu.SemaphoreType.DMA, pltpu.SemaphoreType.DMA,
        pltpu.SemaphoreType.DMA, pltpu.SemaphoreType.DMA,
        pltpu.SemaphoreType.DMA, pltpu.SemaphoreType.DMA,
        pltpu.SemaphoreType.DMA, pltpu.SemaphoreType.DMA,
        pltpu.SemaphoreType.DMA, pltpu.SemaphoreType.DMA,
    ],
)
def _gather_edges(hs_hbm, hr_hbm, si_hbm, ri_hbm, sent_hbm, recv_hbm,
                  si0, si1, ri0, ri1, sb0, sb1, rb0, rb1,
                  semi_s0, semi_s1, semi_r0, semi_r1,
                  semg_s0, semg_s1, semg_r0, semg_r1,
                  semw_s0, semw_s1, semw_r0, semw_r1):
    wid = lax.axis_index("s") * NC + lax.axis_index("c")
    base = wid * EPW
    si = (si0, si1)
    ri = (ri0, ri1)
    sb = (sb0, sb1)
    rb = (rb0, rb1)
    semi_s = (semi_s0, semi_s1)
    semi_r = (semi_r0, semi_r1)
    semg_s = (semg_s0, semg_s1)
    semg_r = (semg_r0, semg_r1)
    semw_s = (semw_s0, semw_s1)
    semw_r = (semw_r0, semw_r1)

    def idx_start(b, c):
        off = base + c * K
        pltpu.async_copy(si_hbm.at[pl.ds(off, K)], si[b], semi_s[b])
        pltpu.async_copy(ri_hbm.at[pl.ds(off, K)], ri[b], semi_r[b])

    def idx_wait(b):
        pltpu.make_async_copy(si_hbm.at[pl.ds(base, K)], si[b], semi_s[b]).wait()
        pltpu.make_async_copy(ri_hbm.at[pl.ds(base, K)], ri[b], semi_r[b]).wait()

    def store_wait(b):
        pltpu.make_async_copy(sb[b], sent_hbm.at[pl.ds(base, K)], semw_s[b]).wait()
        pltpu.make_async_copy(rb[b], recv_hbm.at[pl.ds(base, K)], semw_r[b]).wait()

    idx_start(0, 0)
    idx_start(1, 1)

    @pl.loop(0, NPAIR, step=2)
    def _(c0):
        for b in range(2):
            c = c0 + b
            idx_wait(b)

            @pl.when(c >= 2)
            def _():
                store_wait(b)

            pltpu.async_copy(hs_hbm.at[si[b]], sb[b], semg_s[b])
            pltpu.async_copy(hr_hbm.at[ri[b]], rb[b], semg_r[b])
        for b in range(2):
            c = c0 + b
            off = base + c * K
            pltpu.make_async_copy(hs_hbm.at[si[b]], sb[b], semg_s[b]).wait()
            pltpu.make_async_copy(hr_hbm.at[ri[b]], rb[b], semg_r[b]).wait()
            pltpu.async_copy(sb[b], sent_hbm.at[pl.ds(off, K)], semw_s[b])
            pltpu.async_copy(rb[b], recv_hbm.at[pl.ds(off, K)], semw_r[b])

            @pl.when(c + 2 < NCHUNK)
            def _():
                idx_start(b, c + 2)

    tc = NCHUNK - 1
    idx_wait(0)
    store_wait(0)
    pltpu.async_copy(hs_hbm.at[si[0]], sb[0], semg_s[0])
    pltpu.async_copy(hr_hbm.at[ri[0]], rb[0], semg_r[0])
    pltpu.make_async_copy(hs_hbm.at[si[0]], sb[0], semg_s[0]).wait()
    pltpu.make_async_copy(hr_hbm.at[ri[0]], rb[0], semg_r[0]).wait()
    toff = base + tc * K
    pltpu.async_copy(sb[0], sent_hbm.at[pl.ds(toff, K)], semw_s[0])
    pltpu.async_copy(rb[0], recv_hbm.at[pl.ds(toff, K)], semw_r[0])
    store_wait(0)
    store_wait(1)


def _edge_body(sent_ref, recv_ref, ea_ref, ri_ref, we_ref, be_ref, cbig_ref,
               bsel_ref, msg_ref, pp_ref):
    sent = sent_ref[...]
    he = jnp.dot(ea_ref[...], we_ref[...], preferred_element_type=jnp.float32) + be_ref[...]
    z = sent + recv_ref[...] + he
    z = jnp.where(z >= 0.0, z, 0.01 * z)
    pbig = jnp.exp(jnp.dot(z, cbig_ref[...], preferred_element_type=jnp.float32))
    msg_ref[...] = pbig * sent
    pq = jnp.exp(jnp.dot(z, bsel_ref[...], preferred_element_type=jnp.float32))
    li = jax.lax.broadcasted_iota(jnp.int32, pq.shape, 1)
    sel = ((li >> 4) == (ri_ref[...] & 7)) & ((li & 15) < H)
    pp_ref[...] = jnp.where(sel, pq, 0.0)


def _edge_math(sent, recv, edge_attr, ri2, We, be2, cbig, bsel):
    eb = 2000
    grid = (E // eb,)
    return pl.pallas_call(
        _edge_body,
        grid=grid,
        in_specs=[
            pl.BlockSpec((eb, D), lambda i: (i, 0)),
            pl.BlockSpec((eb, D), lambda i: (i, 0)),
            pl.BlockSpec((eb, DE), lambda i: (i, 0)),
            pl.BlockSpec((eb, 1), lambda i: (i, 0)),
            pl.BlockSpec((DE, D), lambda i: (0, 0)),
            pl.BlockSpec((1, D), lambda i: (0, 0)),
            pl.BlockSpec((D, D), lambda i: (0, 0)),
            pl.BlockSpec((D, D), lambda i: (0, 0)),
        ],
        out_specs=[
            pl.BlockSpec((eb, D), lambda i: (i, 0)),
            pl.BlockSpec((eb, D), lambda i: (i, 0)),
        ],
        out_shape=[
            jax.ShapeDtypeStruct((E, D), jnp.float32),
            jax.ShapeDtypeStruct((E, D), jnp.float32),
        ],
    )(sent, recv, edge_attr, ri2, We, be2, cbig, bsel)


@functools.partial(
    pl.kernel,
    out_type=(
        jax.ShapeDtypeStruct((NC * NP, D), jnp.float32),
        jax.ShapeDtypeStruct((NC * NPP, D), jnp.float32),
    ),
    mesh=_mesh,
    scratch_types=[
        pltpu.VMEM((K,), jnp.int32),
        pltpu.VMEM((K,), jnp.int32),
        pltpu.VMEM((K, D), jnp.float32),
        pltpu.VMEM((K, D), jnp.float32),
        pltpu.VMEM_SHARED((NP, D), jnp.float32),
        pltpu.VMEM_SHARED((NPP, D), jnp.float32),
        pltpu.SemaphoreType.DMA,
        pltpu.SemaphoreType.DMA,
    ],
)
def _scatter_edges(msg_hbm, pp_hbm, ri_hbm, zm_hbm, accm_out, accp_out,
                   ri_v, ri8_v, mbuf, pbuf, accm_sh, accp_sh, sem_m, sem_p):
    cid = lax.axis_index("c")
    sid = lax.axis_index("s")
    wid = sid * NC + cid
    base = wid * EPW
    r0 = sid * ROWS_PER_TILE
    q0 = sid * PROWS_PER_TILE

    pltpu.sync_copy(zm_hbm, mbuf)
    for j in range(RJ):
        pltpu.sync_copy(mbuf, accm_sh.at[pl.ds(r0 + j * K, K)])
    pltpu.sync_copy(mbuf, accp_sh.at[pl.ds(q0, PROWS_PER_TILE)])
    plsc.subcore_barrier()

    @pl.loop(0, NCHUNK)
    def _(ci):
        off = base + ci * K
        pltpu.sync_copy(ri_hbm.at[pl.ds(off, K)], ri_v)
        for g in range(K // 16):
            ri8_v[pl.ds(g * 16, 16)] = lax.shift_right_logical(
                ri_v[pl.ds(g * 16, 16)], 3)
        cm = pltpu.async_copy(msg_hbm.at[pl.ds(off, K)], mbuf, sem_m)
        cp = pltpu.async_copy(pp_hbm.at[pl.ds(off, K)], pbuf, sem_p)
        cm.wait()
        cp.wait()
        pltpu.sync_copy(mbuf, accm_sh.at[ri_v], add=True)
        pltpu.sync_copy(pbuf, accp_sh.at[ri8_v], add=True)

    plsc.subcore_barrier()
    for j in range(RJ):
        pltpu.sync_copy(accm_sh.at[pl.ds(r0 + j * K, K)], mbuf)
        pltpu.sync_copy(mbuf, accm_out.at[pl.ds(cid * NP + r0 + j * K, K)])
    pltpu.sync_copy(accp_sh.at[pl.ds(q0, PROWS_PER_TILE)], pbuf)
    pltpu.sync_copy(pbuf, accp_out.at[pl.ds(cid * NPP + q0, PROWS_PER_TILE)])


def _final_body(accm_ref, accp_ref, out_ref):
    am = accm_ref[0] + accm_ref[1]
    ap = accp_ref[0] + accp_ref[1]
    for h in range(H):
        sl = slice(HD * h, HD * (h + 1))
        s = ap[:, h:h + 1]
        s = jnp.where(s != 0.0, s, 1.0)
        out_ref[:, sl] = am[:, sl] / s


def _finalize(accm, accp):
    nb = 1000
    grid = (N // nb,)
    return pl.pallas_call(
        _final_body,
        grid=grid,
        in_specs=[
            pl.BlockSpec((NC, nb, D), lambda i: (0, i, 0)),
            pl.BlockSpec((NC, nb, 16), lambda i: (0, i, 0)),
        ],
        out_specs=pl.BlockSpec((nb, D), lambda i: (i, 0)),
        out_shape=jax.ShapeDtypeStruct((N, D), jnp.float32),
    )(accm, accp)


def kernel(x, edge_attr, Ws, bs, Wr, br, We, be, a, edge_index):
    senders = edge_index[0]
    receivers = edge_index[1]
    af = a.reshape(D)
    dh = jnp.arange(D, dtype=jnp.int32) // HD
    cl = jnp.arange(D, dtype=jnp.int32)
    cbig = jnp.where(dh[:, None] == cl[None, :] // HD, af[:, None], 0.0)
    bsel = jnp.where(((cl[None, :] % 16) < H) & (dh[:, None] == cl[None, :] % 16),
                     af[:, None], 0.0)
    hs, hr = _project(x, Ws, bs.reshape(1, D), Wr, br.reshape(1, D))
    sent, recv = _gather_edges(hs, hr, senders, receivers)
    msg, pp = _edge_math(sent, recv, edge_attr, receivers.reshape(E, 1), We,
                         be.reshape(1, D), cbig, bsel)
    zm = jnp.zeros((K, D), jnp.float32)
    accm, accp = _scatter_edges(msg, pp, receivers, zm)
    accm = accm.reshape(NC, NP, D)
    accp = accp.reshape(NC, NPP * 8, 16)
    return _finalize(accm, accp)

# --- scband reference (transcript-rebuilt; emitter-appended) ---
"""Pipeline reference for scband-gatv2-2473901163013 (READ-ONLY COPY).

The authoritative reference and input builder live on the scoring server;
editing this copy changes nothing except your own understanding.
"""

import jax, jax.numpy as jnp
import numpy as np

N = 10000
E = 320000
D = 128
DE = 4
H = 4
HD = D // H


def setup_inputs(seed: int = 0) -> dict:
    key = jax.random.key(seed)
    ks = jax.random.split(key, 8)
    x = jax.random.normal(ks[0], (N, D), dtype=jnp.float32)
    edge_index = jax.random.randint(ks[1], (2, E), 0, N, dtype=jnp.int32)
    edge_attr = jax.random.normal(ks[2], (E, DE), dtype=jnp.float32)
    # Dense params (xavier-like scaling)
    Ws = jax.random.normal(ks[3], (D, D), dtype=jnp.float32) * (1.0 / np.sqrt(D))
    bs = jnp.zeros((D,), dtype=jnp.float32)
    Wr = jax.random.normal(ks[4], (D, D), dtype=jnp.float32) * (1.0 / np.sqrt(D))
    br = jnp.zeros((D,), dtype=jnp.float32)
    We = jax.random.normal(ks[5], (DE, D), dtype=jnp.float32) * (1.0 / np.sqrt(DE))
    be = jnp.zeros((D,), dtype=jnp.float32)
    a = jax.random.normal(ks[6], (H, HD), dtype=jnp.float32) * (1.0 / np.sqrt(HD))
    return {"x": x, "edge_attr": edge_attr, "Ws": Ws, "bs": bs, "Wr": Wr, "br": br, "We": We, "be": be, "a": a, "edge_index": edge_index}


def _segment_softmax(logits, seg, num_segments):
    m = jax.ops.segment_max(logits, seg, num_segments=num_segments)
    m = jnp.where(jnp.isfinite(m), m, 0.0)
    l = logits - m[seg]
    e = jnp.exp(l)
    s = jax.ops.segment_sum(e, seg, num_segments=num_segments)
    return e / s[seg]


def reference(x, edge_attr, Ws, bs, Wr, br, We, be, a, edge_index):
    senders = edge_index[0]
    receivers = edge_index[1]
    # update_edge_fn: sent_attributes = W_s(sent node feats)
    hs = x @ Ws + bs
    hr = x @ Wr + br
    he = edge_attr @ We + be
    sent = hs[senders]            # [E, D]
    recv = hr[receivers]          # [E, D]
    # attention_logit_fn
    z = sent + recv + he
    z = jax.nn.leaky_relu(z)
    z = z.reshape(z.shape[0], H, HD)
    attn_logits = jnp.sum(z * a, axis=-1, keepdims=True)   # [E, H, 1]
    # attention_normalize_fn = segment_softmax over receivers
    w = _segment_softmax(attn_logits, receivers, N)         # [E, H, 1]
    # attention_reduce_fn
    sent_h = sent.reshape(sent.shape[0], H, HD)
    msg = (w * sent_h).reshape(sent.shape[0], D)            # [E, D]
    # aggregate_edges_for_nodes_fn = segment_sum; update_node_fn = identity of received
    nodes = jax.ops.segment_sum(msg, receivers, num_segments=N)  # [N, D]
    return nodes

if __name__ == "__main__":
    import jax
    _d = setup_inputs()
    print(jax.jit(kernel)(*tuple(_d.values())))

</pallas_src>

<mosaic_0001>
#map = affine_map<(d0, d1) -> (0, 0)>
#map1 = affine_map<(d0, d1) -> (0)>
module attributes {stable_mosaic.version = 14 : i64} {
  func.func @_gather_edges(%arg0: i32, %arg1: i32, %arg2: memref<10000x128xf32, #tpu.memory_space<hbm>>, %arg3: memref<10000x128xf32, #tpu.memory_space<hbm>>, %arg4: memref<320000xi32, #tpu.memory_space<hbm>>, %arg5: memref<320000xi32, #tpu.memory_space<hbm>>, %arg6: memref<320000x128xf32, #tpu.memory_space<hbm>>, %arg7: memref<320000x128xf32, #tpu.memory_space<hbm>>, %arg8: memref<80xi32, #tpu.memory_space<vmem>>, %arg9: memref<80xi32, #tpu.memory_space<vmem>>, %arg10: memref<80xi32, #tpu.memory_space<vmem>>, %arg11: memref<80xi32, #tpu.memory_space<vmem>>, %arg12: memref<80x128xf32, #tpu.memory_space<vmem>>, %arg13: memref<80x128xf32, #tpu.memory_space<vmem>>, %arg14: memref<80x128xf32, #tpu.memory_space<vmem>>, %arg15: memref<80x128xf32, #tpu.memory_space<vmem>>, %arg16: memref<!tpu.dma_semaphore, #tpu.memory_space<semaphore_mem>>, %arg17: memref<!tpu.dma_semaphore, #tpu.memory_space<semaphore_mem>>, %arg18: memref<!tpu.dma_semaphore, #tpu.memory_space<semaphore_mem>>, %arg19: memref<!tpu.dma_semaphore, #tpu.memory_space<semaphore_mem>>, %arg20: memref<!tpu.dma_semaphore, #tpu.memory_space<semaphore_mem>>, %arg21: memref<!tpu.dma_semaphore, #tpu.memory_space<semaphore_mem>>, %arg22: memref<!tpu.dma_semaphore, #tpu.memory_space<semaphore_mem>>, %arg23: memref<!tpu.dma_semaphore, #tpu.memory_space<semaphore_mem>>, %arg24: memref<!tpu.dma_semaphore, #tpu.memory_space<semaphore_mem>>, %arg25: memref<!tpu.dma_semaphore, #tpu.memory_space<semaphore_mem>>, %arg26: memref<!tpu.dma_semaphore, #tpu.memory_space<semaphore_mem>>, %arg27: memref<!tpu.dma_semaphore, #tpu.memory_space<semaphore_mem>>) attributes {dimension_semantics = [#tpu.dimension_semantics<core_parallel>, #tpu.dimension_semantics<subcore_parallel>], iteration_bounds = array<i64: 2, 16>, scalar_prefetch = 0 : i64, scratch_operands = 20 : i64, tpu.core_type = #tpu.core_type<sc_vector_subcore>, window_params = [{transform_indices = #map}, {transform_indices = #map}, {transform_indices = #map1}, {transform_indices = #map1}, {transform_indices = #map}, {transform_indices = #map}]} {
    %mul3A = arith.constant 2 : i32
    %mul3A_0 = arith.muli %arg1, %mul3A : i32
    %add3A = arith.addi %mul3A_0, %arg0 : i32
    %mul3A_1 = arith.constant 10000 : i32
    %mul3A_2 = arith.muli %add3A, %mul3A_1 : i32
    %add3A_3 = arith.constant 0 : i32
    %add3A_4 = arith.addi %mul3A_2, %add3A_3 : i32
    %dma_start3A = tpu.memref_slice %arg4[%add3A_4] : memref<320000xi32, #tpu.memory_space<hbm>> -> memref<80xi32, #tpu.memory_space<hbm>>
    %dma_start3A_5 = tpu.memref_slice %arg4[%add3A_4] : memref<320000xi32, #tpu.memory_space<hbm>> -> memref<80xi32, #tpu.memory_space<hbm>>
    tpu.enqueue_dma source(%dma_start3A_5 : memref<80xi32, #tpu.memory_space<hbm>>) target(%arg8 : memref<80xi32, #tpu.memory_space<vmem>>) target_semaphore(%arg16 : memref<!tpu.dma_semaphore, #tpu.memory_space<semaphore_mem>>)
    %dma_start3A_6 = tpu.memref_slice %arg5[%add3A_4] : memref<320000xi32, #tpu.memory_space<hbm>> -> memref<80xi32, #tpu.memory_space<hbm>>
    %dma_start3A_7 = tpu.memref_slice %arg5[%add3A_4] : memref<320000xi32, #tpu.memory_space<hbm>> -> memref<80xi32, #tpu.memory_space<hbm>>
    tpu.enqueue_dma source(%dma_start3A_7 : memref<80xi32, #tpu.memory_space<hbm>>) target(%arg10 : memref<80xi32, #tpu.memory_space<vmem>>) target_semaphore(%arg18 : memref<!tpu.dma_semaphore, #tpu.memory_space<semaphore_mem>>)
    %add3A_8 = arith.constant 80 : i32
    %add3A_9 = arith.addi %mul3A_2, %add3A_8 : i32
    %dma_start3A_10 = tpu.memref_slice %arg4[%add3A_9] : memref<320000xi32, #tpu.memory_space<hbm>> -> memref<80xi32, #tpu.memory_space<hbm>>
    %dma_start3A_11 = tpu.memref_slice %arg4[%add3A_9] : memref<320000xi32, #tpu.memory_space<hbm>> -> memref<80xi32, #tpu.memory_space<hbm>>
    tpu.enqueue_dma source(%dma_start3A_11 : memref<80xi32, #tpu.memory_space<hbm>>) target(%arg9 : memref<80xi32, #tpu.memory_space<vmem>>) target_semaphore(%arg17 : memref<!tpu.dma_semaphore, #tpu.memory_space<semaphore_mem>>)
    %dma_start3A_12 = tpu.memref_slice %arg5[%add3A_9] : memref<320000xi32, #tpu.memory_space<hbm>> -> memref<80xi32, #tpu.memory_space<hbm>>
    %dma_start3A_13 = tpu.memref_slice %arg5[%add3A_9] : memref<320000xi32, #tpu.memory_space<hbm>> -> memref<80xi32, #tpu.memory_space<hbm>>
    tpu.enqueue_dma source(%dma_start3A_13 : memref<80xi32, #tpu.memory_space<hbm>>) target(%arg11 : memref<80xi32, #tpu.memory_space<vmem>>) target_semaphore(%arg19 : memref<!tpu.dma_semaphore, #tpu.memory_space<semaphore_mem>>)
    %scan3A = arith.constant 0 : i32
    %scan3A_14 = arith.constant 62 : i32
    %scan3A_15 = arith.addi %scan3A, %scan3A_14 : i32
    %scan3A_16 = arith.constant 1 : i32
    scf.for %scan3A_67 = %scan3A to %scan3A_15 step %scan3A_16  : i32 {
      %mul3A_68 = arith.constant 2 : i32
      %mul3A_69 = arith.muli %scan3A_67, %mul3A_68 : i32
      %add3A_70 = arith.constant 0 : i32
      %add3A_71 = arith.addi %add3A_70, %mul3A_69 : i32
      %add3A_72 = arith.constant 0 : i32
      %add3A_73 = arith.addi %add3A_71, %add3A_72 : i32
      %dma_wait3A_74 = tpu.memref_slice %arg4[%mul3A_2] : memref<320000xi32, #tpu.memory_space<hbm>> -> memref<80xi32, #tpu.memory_space<hbm>>
      %dma_wait3A_75 = tpu.memref_slice %arg4[%mul3A_2] : memref<320000xi32, #tpu.memory_space<hbm>> -> memref<80xi32, #tpu.memory_space<hbm>>
      tpu.wait_dma2 semaphore(%arg16 : memref<!tpu.dma_semaphore, #tpu.memory_space<semaphore_mem>>) src(%dma_wait3A_75 : memref<80xi32, #tpu.memory_space<hbm>>) dst(%arg8 : memref<80xi32, #tpu.memory_space<vmem>>)
      %dma_wait3A_76 = tpu.memref_slice %arg5[%mul3A_2] : memref<320000xi32, #tpu.memory_space<hbm>> -> memref<80xi32, #tpu.memory_space<hbm>>
      %dma_wait3A_77 = tpu.memref_slice %arg5[%mul3A_2] : memref<320000xi32, #tpu.memory_space<hbm>> -> memref<80xi32, #tpu.memory_space<hbm>>
      tpu.wait_dma2 semaphore(%arg18 : memref<!tpu.dma_semaphore, #tpu.memory_space<semaphore_mem>>) src(%dma_wait3A_77 : memref<80xi32, #tpu.memory_space<hbm>>) dst(%arg10 : memref<80xi32, #tpu.memory_space<vmem>>)
      %ge3A = arith.constant 2 : i32
      %ge3A_78 = arith.cmpi sge, %add3A_73, %ge3A : i32
      %convert_element_type3A = arith.extui %ge3A_78 : i1 to i32
      %cond3A = arith.constant 0 : i32
      %cond3A_79 = arith.cmpi ne, %convert_element_type3A, %cond3A : i32
      scf.if %cond3A_79 {
        %dma_wait3A_154 = arith.constant 0 : i32
        %dma_wait3A_155 = tpu.memref_slice %arg6[%mul3A_2, %dma_wait3A_154] : memref<320000x128xf32, #tpu.memory_space<hbm>> -> memref<80x128xf32, #tpu.memory_space<hbm>>
        %dma_wait3A_156 = arith.constant 0 : i32
        %dma_wait3A_157 = tpu.memref_slice %arg6[%mul3A_2, %dma_wait3A_156] : memref<320000x128xf32, #tpu.memory_space<hbm>> -> memref<80x128xf32, #tpu.memory_space<hbm>>
        tpu.wait_dma2 semaphore(%arg24 : memref<!tpu.dma_semaphore, #tpu.memory_space<semaphore_mem>>) src(%arg12 : memref<80x128xf32, #tpu.memory_space<vmem>>) dst(%dma_wait3A_157 : memref<80x128xf32, #tpu.memory_space<hbm>>)
        %dma_wait3A_158 = arith.constant 0 : i32
        %dma_wait3A_159 = tpu.memref_slice %arg7[%mul3A_2, %dma_wait3A_158] : memref<320000x128xf32, #tpu.memory_space<hbm>> -> memref<80x128xf32, #tpu.memory_space<hbm>>
        %dma_wait3A_160 = arith.constant 0 : i32
        %dma_wait3A_161 = tpu.memref_slice %arg7[%mul3A_2, %dma_wait3A_160] : memref<320000x128xf32, #tpu.memory_space<hbm>> -> memref<80x128xf32, #tpu.memory_space<hbm>>
        tpu.wait_dma2 semaphore(%arg26 : memref<!tpu.dma_semaphore, #tpu.memory_space<semaphore_mem>>) src(%arg14 : memref<80x128xf32, #tpu.memory_space<vmem>>) dst(%dma_wait3A_161 : memref<80x128xf32, #tpu.memory_space<hbm>>)
      } else {
      }
      %dma_start3A_80 = arith.constant 0 : i32
      %dma_start3A_81 = arith.constant 0 : i32
      %dma_start3A_82 = tpu.memref_slice %arg2[%dma_start3A_80, %dma_start3A_81] : memref<10000x128xf32, #tpu.memory_space<hbm>> -> memref<10000x128xf32, #tpu.memory_space<hbm>>
      tpu.enqueue_indirect_dma source(%dma_start3A_82 : memref<10000x128xf32, #tpu.memory_space<hbm>>) target(%arg12 : memref<80x128xf32, #tpu.memory_space<vmem>>) offsets(%arg8 : memref<80xi32, #tpu.memory_space<vmem>>) semaphore(%arg20 : memref<!tpu.dma_semaphore, #tpu.memory_space<semaphore_mem>>)
      %dma_start3A_83 = arith.constant 0 : i32
      %dma_start3A_84 = arith.constant 0 : i32
      %dma_start3A_85 = tpu.memref_slice %arg3[%dma_start3A_83, %dma_start3A_84] : memref<10000x128xf32, #tpu.memory_space<hbm>> -> memref<10000x128xf32, #tpu.memory_space<hbm>>
      tpu.enqueue_indirect_dma source(%dma_start3A_85 : memref<10000x128xf32, #tpu.memory_space<hbm>>) target(%arg14 : memref<80x128xf32, #tpu.memory_space<vmem>>) offsets(%arg10 : memref<80xi32, #tpu.memory_space<vmem>>) semaphore(%arg22 : memref<!tpu.dma_semaphore, #tpu.memory_space<semaphore_mem>>)
      %add3A_86 = arith.constant 1 : i32
      %add3A_87 = arith.addi %add3A_71, %add3A_86 : i32
      %dma_wait3A_88 = tpu.memref_slice %arg4[%mul3A_2] : memref<320000xi32, #tpu.memory_space<hbm>> -> memref<80xi32, #tpu.memory_space<hbm>>
      %dma_wait3A_89 = tpu.memref_slice %arg4[%mul3A_2] : memref<320000xi32, #tpu.memory_space<hbm>> -> memref<80xi32, #tpu.memory_space<hbm>>
      tpu.wait_dma2 semaphore(%arg17 : memref<!tpu.dma_semaphore, #tpu.memory_space<semaphore_mem>>) src(%dma_wait3A_89 : memref<80xi32, #tpu.memory_space<hbm>>) dst(%arg9 : memref<80xi32, #tpu.memory_space<vmem>>)
      %dma_wait3A_90 = tpu.memref_slice %arg5[%mul3A_2] : memref<320000xi32, #tpu.memory_space<hbm>> -> memref<80xi32, #tpu.memory_space<hbm>>
      %dma_wait3A_91 = tpu.memref_slice %arg5[%mul3A_2] : memref<320000xi32, #tpu.memory_space<hbm>> -> memref<80xi32, #tpu.memory_space<hbm>>
      tpu.wait_dma2 semaphore(%arg19 : memref<!tpu.dma_semaphore, #tpu.memory_space<semaphore_mem>>) src(%dma_wait3A_91 : memref<80xi32, #tpu.memory_space<hbm>>) dst(%arg11 : memref<80xi32, #tpu.memory_space<vmem>>)
      %ge3A_92 = arith.constant 2 : i32
      %ge3A_93 = arith.cmpi sge, %add3A_87, %ge3A_92 : i32
      %convert_element_type3A_94 = arith.extui %ge3A_93 : i1 to i32
      %cond3A_95 = arith.constant 0 : i32
      %cond3A_96 = arith.cmpi ne, %convert_element_type3A_94, %cond3A_95 : i32
      scf.if %cond3A_96 {
        %dma_wait3A_154 = arith.constant 0 : i32
        %dma_wait3A_155 = tpu.memref_slice %arg6[%mul3A_2, %dma_wait3A_154] : memref<320000x128xf32, #tpu.memory_space<hbm>> -> memref<80x128xf32, #tpu.memory_space<hbm>>
        %dma_wait3A_156 = arith.constant 0 : i32
        %dma_wait3A_157 = tpu.memref_slice %arg6[%mul3A_2, %dma_wait3A_156] : memref<320000x128xf32, #tpu.memory_space<hbm>> -> memref<80x128xf32, #tpu.memory_space<hbm>>
        tpu.wait_dma2 semaphore(%arg25 : memref<!tpu.dma_semaphore, #tpu.memory_space<semaphore_mem>>) src(%arg13 : memref<80x128xf32, #tpu.memory_space<vmem>>) dst(%dma_wait3A_157 : memref<80x128xf32, #tpu.memory_space<hbm>>)
        %dma_wait3A_158 = arith.constant 0 : i32
        %dma_wait3A_159 = tpu.memref_slice %arg7[%mul3A_2, %dma_wait3A_158] : memref<320000x128xf32, #tpu.memory_space<hbm>> -> memref<80x128xf32, #tpu.memory_space<hbm>>
        %dma_wait3A_160 = arith.constant 0 : i32
        %dma_wait3A_161 = tpu.memref_slice %arg7[%mul3A_2, %dma_wait3A_160] : memref<320000x128xf32, #tpu.memory_space<hbm>> -> memref<80x128xf32, #tpu.memory_space<hbm>>
        tpu.wait_dma2 semaphore(%arg27 : memref<!tpu.dma_semaphore, #tpu.memory_space<semaphore_mem>>) src(%arg15 : memref<80x128xf32, #tpu.memory_space<vmem>>) dst(%dma_wait3A_161 : memref<80x128xf32, #tpu.memory_space<hbm>>)
      } else {
      }
      %dma_start3A_97 = arith.constant 0 : i32
      %dma_start3A_98 = arith.constant 0 : i32
      %dma_start3A_99 = tpu.memref_slice %arg2[%dma_start3A_97, %dma_start3A_98] : memref<10000x128xf32, #tpu.memory_space<hbm>> -> memref<10000x128xf32, #tpu.memory_space<hbm>>
      tpu.enqueue_indirect_dma source(%dma_start3A_99 : memref<10000x128xf32, #tpu.memory_space<hbm>>) target(%arg13 : memref<80x128xf32, #tpu.memory_space<vmem>>) offsets(%arg9 : memref<80xi32, #tpu.memory_space<vmem>>) semaphore(%arg21 : memref<!tpu.dma_semaphore, #tpu.memory_space<semaphore_mem>>)
      %dma_start3A_100 = arith.constant 0 : i32
      %dma_start3A_101 = arith.constant 0 : i32
      %dma_start3A_102 = tpu.memref_slice %arg3[%dma_start3A_100, %dma_start3A_101] : memref<10000x128xf32, #tpu.memory_space<hbm>> -> memref<10000x128xf32, #tpu.memory_space<hbm>>
      tpu.enqueue_indirect_dma source(%dma_start3A_102 : memref<10000x128xf32, #tpu.memory_space<hbm>>) target(%arg15 : memref<80x128xf32, #tpu.memory_space<vmem>>) offsets(%arg11 : memref<80xi32, #tpu.memory_space<vmem>>) semaphore(%arg23 : memref<!tpu.dma_semaphore, #tpu.memory_space<semaphore_mem>>)
      %add3A_103 = arith.constant 0 : i32
      %add3A_104 = arith.addi %add3A_71, %add3A_103 : i32
      %mul3A_105 = arith.constant 80 : i32
      %mul3A_106 = arith.muli %add3A_104, %mul3A_105 : i32
      %add3A_107 = arith.addi %mul3A_2, %mul3A_106 : i32
      %dma_wait3A_108 = arith.constant 0 : i32
      %dma_wait3A_109 = arith.constant 0 : i32
      %dma_wait3A_110 = tpu.memref_slice %arg2[%dma_wait3A_108, %dma_wait3A_109] : memref<10000x128xf32, #tpu.memory_space<hbm>> -> memref<10000x128xf32, #tpu.memory_space<hbm>>
      tpu.wait_indirect_dma semaphore(%arg20 : memref<!tpu.dma_semaphore, #tpu.memory_space<semaphore_mem>>) src(%dma_wait3A_110 : memref<10000x128xf32, #tpu.memory_space<hbm>>) dst(%arg12 : memref<80x128xf32, #tpu.memory_space<vmem>>)
      %dma_wait3A_111 = arith.constant 0 : i32
      %dma_wait3A_112 = arith.constant 0 : i32
      %dma_wait3A_113 = tpu.memref_slice %arg3[%dma_wait3A_111, %dma_wait3A_112] : memref<10000x128xf32, #tpu.memory_space<hbm>> -> memref<10000x128xf32, #tpu.memory_space<hbm>>
      tpu.wait_indirect_dma semaphore(%arg22 : memref<!tpu.dma_semaphore, #tpu.memory_space<semaphore_mem>>) src(%dma_wait3A_113 : memref<10000x128xf32, #tpu.memory_space<hbm>>) dst(%arg14 : memref<80x128xf32, #tpu.memory_space<vmem>>)
      %dma_start3A_114 = arith.constant 0 : i32
      %dma_start3A_115 = tpu.memref_slice %arg6[%add3A_107, %dma_start3A_114] : memref<320000x128xf32, #tpu.memory_space<hbm>> -> memref<80x128xf32, #tpu.memory_space<hbm>>
      %dma_start3A_116 = arith.constant 0 : i32
      %dma_start3A_117 = tpu.memref_slice %arg6[%add3A_107, %dma_start3A_116] : memref<320000x128xf32, #tpu.memory_space<hbm>> -> memref<80x128xf32, #tpu.memory_space<hbm>>
      tpu.enqueue_dma source(%arg12 : memref<80x128xf32, #tpu.memory_space<vmem>>) target(%dma_start3A_117 : memref<80x128xf32, #tpu.memory_space<hbm>>) target_semaphore(%arg24 : memref<!tpu.dma_semaphore, #tpu.memory_space<semaphore_mem>>)
      %dma_start3A_118 = arith.constant 0 : i32
      %dma_start3A_119 = tpu.memref_slice %arg7[%add3A_107, %dma_start3A_118] : memref<320000x128xf32, #tpu.memory_space<hbm>> -> memref<80x128xf32, #tpu.memory_space<hbm>>
      %dma_start3A_120 = arith.constant 0 : i32
      %dma_start3A_121 = tpu.memref_slice %arg7[%add3A_107, %dma_start3A_120] : memref<320000x128xf32, #tpu.memory_space<hbm>> -> memref<80x128xf32, #tpu.memory_space<hbm>>
      tpu.enqueue_dma source(%arg14 : memref<80x128xf32, #tpu.memory_space<vmem>>) target(%dma_start3A_121 : memref<80x128xf32, #tpu.memory_space<hbm>>) target_semaphore(%arg26 : memref<!tpu.dma_semaphore, #tpu.memory_space<semaphore_mem>>)
      %add3A_122 = arith.constant 2 : i32
      %add3A_123 = arith.addi %add3A_104, %add3A_122 : i32
      %lt3A = arith.constant 125 : i32
      %lt3A_124 = arith.cmpi slt, %add3A_123, %lt3A : i32
      %convert_element_type3A_125 = arith.extui %lt3A_124 : i1 to i32
      %cond3A_126 = arith.constant 0 : i32
      %cond3A_127 = arith.cmpi ne, %convert_element_type3A_125, %cond3A_126 : i32
      scf.if %cond3A_127 {
        %add3A_154 = arith.constant 2 : i32
        %add3A_155 = arith.addi %add3A_104, %add3A_154 : i32
        %mul3A_156 = arith.constant 80 : i32
        %mul3A_157 = arith.muli %add3A_155, %mul3A_156 : i32
        %add3A_158 = arith.addi %mul3A_2, %mul3A_157 : i32
        %dma_start3A_159 = tpu.memref_slice %arg4[%add3A_158] : memref<320000xi32, #tpu.memory_space<hbm>> -> memref<80xi32, #tpu.memory_space<hbm>>
        %dma_start3A_160 = tpu.memref_slice %arg4[%add3A_158] : memref<320000xi32, #tpu.memory_space<hbm>> -> memref<80xi32, #tpu.memory_space<hbm>>
        tpu.enqueue_dma source(%dma_start3A_160 : memref<80xi32, #tpu.memory_space<hbm>>) target(%arg8 : memref<80xi32, #tpu.memory_space<vmem>>) target_semaphore(%arg16 : memref<!tpu.dma_semaphore, #tpu.memory_space<semaphore_mem>>)
        %dma_start3A_161 = tpu.memref_slice %arg5[%add3A_158] : memref<320000xi32, #tpu.memory_space<hbm>> -> memref<80xi32, #tpu.memory_space<hbm>>
        %dma_start3A_162 = tpu.memref_slice %arg5[%add3A_158] : memref<320000xi32, #tpu.memory_space<hbm>> -> memref<80xi32, #tpu.memory_space<hbm>>
        tpu.enqueue_dma source(%dma_start3A_162 : memref<80xi32, #tpu.memory_space<hbm>>) target(%arg10 : memref<80xi32, #tpu.memory_space<vmem>>) target_semaphore(%arg18 : memref<!tpu.dma_semaphore, #tpu.memory_space<semaphore_mem>>)
      } else {
      }
      %add3A_128 = arith.constant 1 : i32
      %add3A_129 = arith.addi %add3A_71, %add3A_128 : i32
      %mul3A_130 = arith.constant 80 : i32
      %mul3A_131 = arith.muli %add3A_129, %mul3A_130 : i32
      %add3A_132 = arith.addi %mul3A_2, %mul3A_131 : i32
      %dma_wait3A_133 = arith.constant 0 : i32
      %dma_wait3A_134 = arith.constant 0 : i32
      %dma_wait3A_135 = tpu.memref_slice %arg2[%dma_wait3A_133, %dma_wait3A_134] : memref<10000x128xf32, #tpu.memory_space<hbm>> -> memref<10000x128xf32, #tpu.memory_space<hbm>>
      tpu.wait_indirect_dma semaphore(%arg21 : memref<!tpu.dma_semaphore, #tpu.memory_space<semaphore_mem>>) src(%dma_wait3A_135 : memref<10000x128xf32, #tpu.memory_space<hbm>>) dst(%arg13 : memref<80x128xf32, #tpu.memory_space<vmem>>)
      %dma_wait3A_136 = arith.constant 0 : i32
      %dma_wait3A_137 = arith.constant 0 : i32
      %dma_wait3A_138 = tpu.memref_slice %arg3[%dma_wait3A_136, %dma_wait3A_137] : memref<10000x128xf32, #tpu.memory_space<hbm>> -> memref<10000x128xf32, #tpu.memory_space<hbm>>
      tpu.wait_indirect_dma semaphore(%arg23 : memref<!tpu.dma_semaphore, #tpu.memory_space<semaphore_mem>>) src(%dma_wait3A_138 : memref<10000x128xf32, #tpu.memory_space<hbm>>) dst(%arg15 : memref<80x128xf32, #tpu.memory_space<vmem>>)
      %dma_start3A_139 = arith.constant 0 : i32
      %dma_start3A_140 = tpu.memref_slice %arg6[%add3A_132, %dma_start3A_139] : memref<320000x128xf32, #tpu.memory_space<hbm>> -> memref<80x128xf32, #tpu.memory_space<hbm>>
      %dma_start3A_141 = arith.constant 0 : i32
      %dma_start3A_142 = tpu.memref_slice %arg6[%add3A_132, %dma_start3A_141] : memref<320000x128xf32, #tpu.memory_space<hbm>> -> memref<80x128xf32, #tpu.memory_space<hbm>>
      tpu.enqueue_dma source(%arg13 : memref<80x128xf32, #tpu.memory_space<vmem>>) target(%dma_start3A_142 : memref<80x128xf32, #tpu.memory_space<hbm>>) target_semaphore(%arg25 : memref<!tpu.dma_semaphore, #tpu.memory_space<semaphore_mem>>)
      %dma_start3A_143 = arith.constant 0 : i32
      %dma_start3A_144 = tpu.memref_slice %arg7[%add3A_132, %dma_start3A_143] : memref<320000x128xf32, #tpu.memory_space<hbm>> -> memref<80x128xf32, #tpu.memory_space<hbm>>
      %dma_start3A_145 = arith.constant 0 : i32
      %dma_start3A_146 = tpu.memref_slice %arg7[%add3A_132, %dma_start3A_145] : memref<320000x128xf32, #tpu.memory_space<hbm>> -> memref<80x128xf32, #tpu.memory_space<hbm>>
      tpu.enqueue_dma source(%arg15 : memref<80x128xf32, #tpu.memory_space<vmem>>) target(%dma_start3A_146 : memref<80x128xf32, #tpu.memory_space<hbm>>) target_semaphore(%arg27 : memref<!tpu.dma_semaphore, #tpu.memory_space<semaphore_mem>>)
      %add3A_147 = arith.constant 2 : i32
      %add3A_148 = arith.addi %add3A_129, %add3A_147 : i32
      %lt3A_149 = arith.constant 125 : i32
      %lt3A_150 = arith.cmpi slt, %add3A_148, %lt3A_149 : i32
      %convert_element_type3A_151 = arith.extui %lt3A_150 : i1 to i32
      %cond3A_152 = arith.constant 0 : i32
      %cond3A_153 = arith.cmpi ne, %convert_element_type3A_151, %cond3A_152 : i32
      scf.if %cond3A_153 {
        %add3A_154 = arith.constant 2 : i32
        %add3A_155 = arith.addi %add3A_129, %add3A_154 : i32
        %mul3A_156 = arith.constant 80 : i32
        %mul3A_157 = arith.muli %add3A_155, %mul3A_156 : i32
        %add3A_158 = arith.addi %mul3A_2, %mul3A_157 : i32
        %dma_start3A_159 = tpu.memref_slice %arg4[%add3A_158] : memref<320000xi32, #tpu.memory_space<hbm>> -> memref<80xi32, #tpu.memory_space<hbm>>
        %dma_start3A_160 = tpu.memref_slice %arg4[%add3A_158] : memref<320000xi32, #tpu.memory_space<hbm>> -> memref<80xi32, #tpu.memory_space<hbm>>
        tpu.enqueue_dma source(%dma_start3A_160 : memref<80xi32, #tpu.memory_space<hbm>>) target(%arg9 : memref<80xi32, #tpu.memory_space<vmem>>) target_semaphore(%arg17 : memref<!tpu.dma_semaphore, #tpu.memory_space<semaphore_mem>>)
        %dma_start3A_161 = tpu.memref_slice %arg5[%add3A_158] : memref<320000xi32, #tpu.memory_space<hbm>> -> memref<80xi32, #tpu.memory_space<hbm>>
        %dma_start3A_162 = tpu.memref_slice %arg5[%add3A_158] : memref<320000xi32, #tpu.memory_space<hbm>> -> memref<80xi32, #tpu.memory_space<hbm>>
        tpu.enqueue_dma source(%dma_start3A_162 : memref<80xi32, #tpu.memory_space<hbm>>) target(%arg11 : memref<80xi32, #tpu.memory_space<vmem>>) target_semaphore(%arg19 : memref<!tpu.dma_semaphore, #tpu.memory_space<semaphore_mem>>)
      } else {
      }
    }
    %scan3A_17 = arith.constant 62 : i32
    %dma_wait3A = tpu.memref_slice %arg4[%mul3A_2] : memref<320000xi32, #tpu.memory_space<hbm>> -> memref<80xi32, #tpu.memory_space<hbm>>
    %dma_wait3A_18 = tpu.memref_slice %arg4[%mul3A_2] : memref<320000xi32, #tpu.memory_space<hbm>> -> memref<80xi32, #tpu.memory_space<hbm>>
    tpu.wait_dma2 semaphore(%arg16 : memref<!tpu.dma_semaphore, #tpu.memory_space<semaphore_mem>>) src(%dma_wait3A_18 : memref<80xi32, #tpu.memory_space<hbm>>) dst(%arg8 : memref<80xi32, #tpu.memory_space<vmem>>)
    %dma_wait3A_19 = tpu.memref_slice %arg5[%mul3A_2] : memref<320000xi32, #tpu.memory_space<hbm>> -> memref<80xi32, #tpu.memory_space<hbm>>
    %dma_wait3A_20 = tpu.memref_slice %arg5[%mul3A_2] : memref<320000xi32, #tpu.memory_space<hbm>> -> memref<80xi32, #tpu.memory_space<hbm>>
    tpu.wait_dma2 semaphore(%arg18 : memref<!tpu.dma_semaphore, #tpu.memory_space<semaphore_mem>>) src(%dma_wait3A_20 : memref<80xi32, #tpu.memory_space<hbm>>) dst(%arg10 : memref<80xi32, #tpu.memory_space<vmem>>)
    %dma_wait3A_21 = arith.constant 0 : i32
    %dma_wait3A_22 = tpu.memref_slice %arg6[%mul3A_2, %dma_wait3A_21] : memref<320000x128xf32, #tpu.memory_space<hbm>> -> memref<80x128xf32, #tpu.memory_space<hbm>>
    %dma_wait3A_23 = arith.constant 0 : i32
    %dma_wait3A_24 = tpu.memref_slice %arg6[%mul3A_2, %dma_wait3A_23] : memref<320000x128xf32, #tpu.memory_space<hbm>> -> memref<80x128xf32, #tpu.memory_space<hbm>>
    tpu.wait_dma2 semaphore(%arg24 : memref<!tpu.dma_semaphore, #tpu.memory_space<semaphore_mem>>) src(%arg12 : memref<80x128xf32, #tpu.memory_space<vmem>>) dst(%dma_wait3A_24 : memref<80x128xf32, #tpu.memory_space<hbm>>)
    %dma_wait3A_25 = arith.constant 0 : i32
    %dma_wait3A_26 = tpu.memref_slice %arg7[%mul3A_2, %dma_wait3A_25] : memref<320000x128xf32, #tpu.memory_space<hbm>> -> memref<80x128xf32, #tpu.memory_space<hbm>>
    %dma_wait3A_27 = arith.constant 0 : i32
    %dma_wait3A_28 = tpu.memref_slice %arg7[%mul3A_2, %dma_wait3A_27] : memref<320000x128xf32, #tpu.memory_space<hbm>> -> memref<80x128xf32, #tpu.memory_space<hbm>>
    tpu.wait_dma2 semaphore(%arg26 : memref<!tpu.dma_semaphore, #tpu.memory_space<semaphore_mem>>) src(%arg14 : memref<80x128xf32, #tpu.memory_space<vmem>>) dst(%dma_wait3A_28 : memref<80x128xf32, #tpu.memory_space<hbm>>)
    %dma_start3A_29 = arith.constant 0 : i32
    %dma_start3A_30 = arith.constant 0 : i32
    %dma_start3A_31 = tpu.memref_slice %arg2[%dma_start3A_29, %dma_start3A_30] : memref<10000x128xf32, #tpu.memory_space<hbm>> -> memref<10000x128xf32, #tpu.memory_space<hbm>>
    tpu.enqueue_indirect_dma source(%dma_start3A_31 : memref<10000x128xf32, #tpu.memory_space<hbm>>) target(%arg12 : memref<80x128xf32, #tpu.memory_space<vmem>>) offsets(%arg8 : memref<80xi32, #tpu.memory_space<vmem>>) semaphore(%arg20 : memref<!tpu.dma_semaphore, #tpu.memory_space<semaphore_mem>>)
    %dma_start3A_32 = arith.constant 0 : i32
    %dma_start3A_33 = arith.constant 0 : i32
    %dma_start3A_34 = tpu.memref_slice %arg3[%dma_start3A_32, %dma_start3A_33] : memref<10000x128xf32, #tpu.memory_space<hbm>> -> memref<10000x128xf32, #tpu.memory_space<hbm>>
    tpu.enqueue_indirect_dma source(%dma_start3A_34 : memref<10000x128xf32, #tpu.memory_space<hbm>>) target(%arg14 : memref<80x128xf32, #tpu.memory_space<vmem>>) offsets(%arg10 : memref<80xi32, #tpu.memory_space<vmem>>) semaphore(%arg22 : memref<!tpu.dma_semaphore, #tpu.memory_space<semaphore_mem>>)
    %dma_wait3A_35 = arith.constant 0 : i32
    %dma_wait3A_36 = arith.constant 0 : i32
    %dma_wait3A_37 = tpu.memref_slice %arg2[%dma_wait3A_35, %dma_wait3A_36] : memref<10000x128xf32, #tpu.memory_space<hbm>> -> memref<10000x128xf32, #tpu.memory_space<hbm>>
    tpu.wait_indirect_dma semaphore(%arg20 : memref<!tpu.dma_semaphore, #tpu.memory_space<semaphore_mem>>) src(%dma_wait3A_37 : memref<10000x128xf32, #tpu.memory_space<hbm>>) dst(%arg12 : memref<80x128xf32, #tpu.memory_space<vmem>>)
    %dma_wait3A_38 = arith.constant 0 : i32
    %dma_wait3A_39 = arith.constant 0 : i32
    %dma_wait3A_40 = tpu.memref_slice %arg3[%dma_wait3A_38, %dma_wait3A_39] : memref<10000x128xf32, #tpu.memory_space<hbm>> -> memref<10000x128xf32, #tpu.memory_space<hbm>>
    tpu.wait_indirect_dma semaphore(%arg22 : memref<!tpu.dma_semaphore, #tpu.memory_space<semaphore_mem>>) src(%dma_wait3A_40 : memref<10000x128xf32, #tpu.memory_space<hbm>>) dst(%arg14 : memref<80x128xf32, #tpu.memory_space<vmem>>)
    %add3A_41 = arith.constant 9920 : i32
    %add3A_42 = arith.addi %mul3A_2, %add3A_41 : i32
    %dma_start3A_43 = arith.constant 0 : i32
    %dma_start3A_44 = tpu.memref_slice %arg6[%add3A_42, %dma_start3A_43] : memref<320000x128xf32, #tpu.memory_space<hbm>> -> memref<80x128xf32, #tpu.memory_space<hbm>>
    %dma_start3A_45 = arith.constant 0 : i32
    %dma_start3A_46 = tpu.memref_slice %arg6[%add3A_42, %dma_start3A_45] : memref<320000x128xf32, #tpu.memory_space<hbm>> -> memref<80x128xf32, #tpu.memory_space<hbm>>
    tpu.enqueue_dma source(%arg12 : memref<80x128xf32, #tpu.memory_space<vmem>>) target(%dma_start3A_46 : memref<80x128xf32, #tpu.memory_space<hbm>>) target_semaphore(%arg24 : memref<!tpu.dma_semaphore, #tpu.memory_space<semaphore_mem>>)
    %dma_start3A_47 = arith.constant 0 : i32
    %dma_start3A_48 = tpu.memref_slice %arg7[%add3A_42, %dma_start3A_47] : memref<320000x128xf32, #tpu.memory_space<hbm>> -> memref<80x128xf32, #tpu.memory_space<hbm>>
    %dma_start3A_49 = arith.constant 0 : i32
    %dma_start3A_50 = tpu.memref_slice %arg7[%add3A_42, %dma_start3A_49] : memref<320000x128xf32, #tpu.memory_space<hbm>> -> memref<80x128xf32, #tpu.memory_space<hbm>>
    tpu.enqueue_dma source(%arg14 : memref<80x128xf32, #tpu.memory_space<vmem>>) target(%dma_start3A_50 : memref<80x128xf32, #tpu.memory_space<hbm>>) target_semaphore(%arg26 : memref<!tpu.dma_semaphore, #tpu.memory_space<semaphore_mem>>)
    %dma_wait3A_51 = arith.constant 0 : i32
    %dma_wait3A_52 = tpu.memref_slice %arg6[%mul3A_2, %dma_wait3A_51] : memref<320000x128xf32, #tpu.memory_space<hbm>> -> memref<80x128xf32, #tpu.memory_space<hbm>>
    %dma_wait3A_53 = arith.constant 0 : i32
    %dma_wait3A_54 = tpu.memref_slice %arg6[%mul3A_2, %dma_wait3A_53] : memref<320000x128xf32, #tpu.memory_space<hbm>> -> memref<80x128xf32, #tpu.memory_space<hbm>>
    tpu.wait_dma2 semaphore(%arg24 : memref<!tpu.dma_semaphore, #tpu.memory_space<semaphore_mem>>) src(%arg12 : memref<80x128xf32, #tpu.memory_space<vmem>>) dst(%dma_wait3A_54 : memref<80x128xf32, #tpu.memory_space<hbm>>)
    %dma_wait3A_55 = arith.constant 0 : i32
    %dma_wait3A_56 = tpu.memref_slice %arg7[%mul3A_2, %dma_wait3A_55] : memref<320000x128xf32, #tpu.memory_space<hbm>> -> memref<80x128xf32, #tpu.memory_space<hbm>>
    %dma_wait3A_57 = arith.constant 0 : i32
    %dma_wait3A_58 = tpu.memref_slice %arg7[%mul3A_2, %dma_wait3A_57] : memref<320000x128xf32, #tpu.memory_space<hbm>> -> memref<80x128xf32, #tpu.memory_space<hbm>>
    tpu.wait_dma2 semaphore(%arg26 : memref<!tpu.dma_semaphore, #tpu.memory_space<semaphore_mem>>) src(%arg14 : memref<80x128xf32, #tpu.memory_space<vmem>>) dst(%dma_wait3A_58 : memref<80x128xf32, #tpu.memory_space<hbm>>)
    %dma_wait3A_59 = arith.constant 0 : i32
    %dma_wait3A_60 = tpu.memref_slice %arg6[%mul3A_2, %dma_wait3A_59] : memref<320000x128xf32, #tpu.memory_space<hbm>> -> memref<80x128xf32, #tpu.memory_space<hbm>>
    %dma_wait3A_61 = arith.constant 0 : i32
    %dma_wait3A_62 = tpu.memref_slice %arg6[%mul3A_2, %dma_wait3A_61] : memref<320000x128xf32, #tpu.memory_space<hbm>> -> memref<80x128xf32, #tpu.memory_space<hbm>>
    tpu.wait_dma2 semaphore(%arg25 : memref<!tpu.dma_semaphore, #tpu.memory_space<semaphore_mem>>) src(%arg13 : memref<80x128xf32, #tpu.memory_space<vmem>>) dst(%dma_wait3A_62 : memref<80x128xf32, #tpu.memory_space<hbm>>)
    %dma_wait3A_63 = arith.constant 0 : i32
    %dma_wait3A_64 = tpu.memref_slice %arg7[%mul3A_2, %dma_wait3A_63] : memref<320000x128xf32, #tpu.memory_space<hbm>> -> memref<80x128xf32, #tpu.memory_space<hbm>>
    %dma_wait3A_65 = arith.constant 0 : i32
    %dma_wait3A_66 = tpu.memref_slice %arg7[%mul3A_2, %dma_wait3A_65] : memref<320000x128xf32, #tpu.memory_space<hbm>> -> memref<80x128xf32, #tpu.memory_space<hbm>>
    tpu.wait_dma2 semaphore(%arg27 : memref<!tpu.dma_semaphore, #tpu.memory_space<semaphore_mem>>) src(%arg15 : memref<80x128xf32, #tpu.memory_space<vmem>>) dst(%dma_wait3A_66 : memref<80x128xf32, #tpu.memory_space<hbm>>)
    return
  }
}

#map = affine_map<(d0, d1) -> (0, 0)>
#map1 = affine_map<(d0, d1) -> (0)>
module attributes {stable_mosaic.version = 14 : i64} {
  func.func @_scatter_edges(%arg0: i32, %arg1: i32, %arg2: memref<320000x128xf32, #tpu.memory_space<hbm>>, %arg3: memref<320000x128xf32, #tpu.memory_space<hbm>>, %arg4: memref<320000xi32, #tpu.memory_space<hbm>>, %arg5: memref<80x128xf32, #tpu.memory_space<hbm>>, %arg6: memref<20480x128xf32, #tpu.memory_space<hbm>>, %arg7: memref<2560x128xf32, #tpu.memory_space<hbm>>, %arg8: memref<80xi32, #tpu.memory_space<vmem>>, %arg9: memref<80xi32, #tpu.memory_space<vmem>>, %arg10: memref<80x128xf32, #tpu.memory_space<vmem>>, %arg11: memref<80x128xf32, #tpu.memory_space<vmem>>, %arg12: memref<10240x128xf32, #tpu.memory_space<vmem_shared>>, %arg13: memref<1280x128xf32, #tpu.memory_space<vmem_shared>>, %arg14: memref<!tpu.dma_semaphore, #tpu.memory_space<semaphore_mem>>, %arg15: memref<!tpu.dma_semaphore, #tpu.memory_space<semaphore_mem>>) attributes {dimension_semantics = [#tpu.dimension_semantics<core_parallel>, #tpu.dimension_semantics<subcore_parallel>], iteration_bounds = array<i64: 2, 16>, scalar_prefetch = 0 : i64, scratch_operands = 8 : i64, tpu.core_type = #tpu.core_type<sc_vector_subcore>, window_params = [{transform_indices = #map}, {transform_indices = #map}, {transform_indices = #map1}, {transform_indices = #map}, {transform_indices = #map}, {transform_indices = #map}]} {
    %mul3A = arith.constant 2 : i32
    %mul3A_0 = arith.muli %arg1, %mul3A : i32
    %add3A = arith.addi %mul3A_0, %arg0 : i32
    %mul3A_1 = arith.constant 10000 : i32
    %mul3A_2 = arith.muli %add3A, %mul3A_1 : i32
    %mul3A_3 = arith.constant 640 : i32
    %mul3A_4 = arith.muli %arg1, %mul3A_3 : i32
    %mul3A_5 = arith.constant 80 : i32
    %mul3A_6 = arith.muli %arg1, %mul3A_5 : i32
    "tpu.region"() ({
      %run_scoped3A = tpu.sem_alloc : memref<!tpu.dma_semaphore, #tpu.memory_space<semaphore_mem>>
      tpu.enqueue_dma source(%arg5 : memref<80x128xf32, #tpu.memory_space<hbm>>) target(%arg10 : memref<80x128xf32, #tpu.memory_space<vmem>>) target_semaphore(%run_scoped3A : memref<!tpu.dma_semaphore, #tpu.memory_space<semaphore_mem>>)
      tpu.wait_dma2 semaphore(%run_scoped3A : memref<!tpu.dma_semaphore, #tpu.memory_space<semaphore_mem>>) src(%arg5 : memref<80x128xf32, #tpu.memory_space<hbm>>) dst(%arg10 : memref<80x128xf32, #tpu.memory_space<vmem>>)
      tpu.yield
    }) : () -> ()
    %add3A_7 = arith.constant 0 : i32
    %add3A_8 = arith.addi %mul3A_4, %add3A_7 : i32
    "tpu.region"() ({
      %run_scoped3A = tpu.sem_alloc : memref<!tpu.dma_semaphore, #tpu.memory_space<semaphore_mem>>
      %dma_start3A = arith.constant 0 : i32
      %dma_start3A_87 = tpu.memref_slice %arg12[%add3A_8, %dma_start3A] : memref<10240x128xf32, #tpu.memory_space<vmem_shared>> -> memref<80x128xf32, #tpu.memory_space<vmem_shared>>
      %dma_start3A_88 = arith.constant 0 : i32
      %dma_start3A_89 = tpu.memref_slice %arg12[%add3A_8, %dma_start3A_88] : memref<10240x128xf32, #tpu.memory_space<vmem_shared>> -> memref<80x128xf32, #tpu.memory_space<vmem_shared>>
      tpu.enqueue_dma source(%arg10 : memref<80x128xf32, #tpu.memory_space<vmem>>) target(%dma_start3A_89 : memref<80x128xf32, #tpu.memory_space<vmem_shared>>) target_semaphore(%run_scoped3A : memref<!tpu.dma_semaphore, #tpu.memory_space<semaphore_mem>>)
      %dma_wait3A = arith.constant 0 : i32
      %dma_wait3A_90 = tpu.memref_slice %arg12[%add3A_8, %dma_wait3A] : memref<10240x128xf32, #tpu.memory_space<vmem_shared>> -> memref<80x128xf32, #tpu.memory_space<vmem_shared>>
      %dma_wait3A_91 = arith.constant 0 : i32
      %dma_wait3A_92 = tpu.memref_slice %arg12[%add3A_8, %dma_wait3A_91] : memref<10240x128xf32, #tpu.memory_space<vmem_shared>> -> memref<80x128xf32, #tpu.memory_space<vmem_shared>>
      tpu.wait_dma2 semaphore(%run_scoped3A : memref<!tpu.dma_semaphore, #tpu.memory_space<semaphore_mem>>) src(%arg10 : memref<80x128xf32, #tpu.memory_space<vmem>>) dst(%dma_wait3A_92 : memref<80x128xf32, #tpu.memory_space<vmem_shared>>)
      tpu.yield
    }) : () -> ()
    %add3A_9 = arith.constant 80 : i32
    %add3A_10 = arith.addi %mul3A_4, %add3A_9 : i32
    "tpu.region"() ({
      %run_scoped3A = tpu.sem_alloc : memref<!tpu.dma_semaphore, #tpu.memory_space<semaphore_mem>>
      %dma_start3A = arith.constant 0 : i32
      %dma_start3A_87 = tpu.memref_slice %arg12[%add3A_10, %dma_start3A] : memref<10240x128xf32, #tpu.memory_space<vmem_shared>> -> memref<80x128xf32, #tpu.memory_space<vmem_shared>>
      %dma_start3A_88 = arith.constant 0 : i32
      %dma_start3A_89 = tpu.memref_slice %arg12[%add3A_10, %dma_start3A_88] : memref<10240x128xf32, #tpu.memory_space<vmem_shared>> -> memref<80x128xf32, #tpu.memory_space<vmem_shared>>
      tpu.enqueue_dma source(%arg10 : memref<80x128xf32, #tpu.memory_space<vmem>>) target(%dma_start3A_89 : memref<80x128xf32, #tpu.memory_space<vmem_shared>>) target_semaphore(%run_scoped3A : memref<!tpu.dma_semaphore, #tpu.memory_space<semaphore_mem>>)
      %dma_wait3A = arith.constant 0 : i32
      %dma_wait3A_90 = tpu.memref_slice %arg12[%add3A_10, %dma_wait3A] : memref<10240x128xf32, #tpu.memory_space<vmem_shared>> -> memref<80x128xf32, #tpu.memory_space<vmem_shared>>
      %dma_wait3A_91 = arith.constant 0 : i32
      %dma_wait3A_92 = tpu.memref_slice %arg12[%add3A_10, %dma_wait3A_91] : memref<10240x128xf32, #tpu.memory_space<vmem_shared>> -> memref<80x128xf32, #tpu.memory_space<vmem_shared>>
      tpu.wait_dma2 semaphore(%run_scoped3A : memref<!tpu.dma_semaphore, #tpu.memory_space<semaphore_mem>>) src(%arg10 : memref<80x128xf32, #tpu.memory_space<vmem>>) dst(%dma_wait3A_92 : memref<80x128xf32, #tpu.memory_space<vmem_shared>>)
      tpu.yield
    }) : () -> ()
    %add3A_11 = arith.constant 160 : i32
    %add3A_12 = arith.addi %mul3A_4, %add3A_11 : i32
    "tpu.region"() ({
      %run_scoped3A = tpu.sem_alloc : memref<!tpu.dma_semaphore, #tpu.memory_space<semaphore_mem>>
      %dma_start3A = arith.constant 0 : i32
      %dma_start3A_87 = tpu.memref_slice %arg12[%add3A_12, %dma_start3A] : memref<10240x128xf32, #tpu.memory_space<vmem_shared>> -> memref<80x128xf32, #tpu.memory_space<vmem_shared>>
      %dma_start3A_88 = arith.constant 0 : i32
      %dma_start3A_89 = tpu.memref_slice %arg12[%add3A_12, %dma_start3A_88] : memref<10240x128xf32, #tpu.memory_space<vmem_shared>> -> memref<80x128xf32, #tpu.memory_space<vmem_shared>>
      tpu.enqueue_dma source(%arg10 : memref<80x128xf32, #tpu.memory_space<vmem>>) target(%dma_start3A_89 : memref<80x128xf32, #tpu.memory_space<vmem_shared>>) target_semaphore(%run_scoped3A : memref<!tpu.dma_semaphore, #tpu.memory_space<semaphore_mem>>)
      %dma_wait3A = arith.constant 0 : i32
      %dma_wait3A_90 = tpu.memref_slice %arg12[%add3A_12, %dma_wait3A] : memref<10240x128xf32, #tpu.memory_space<vmem_shared>> -> memref<80x128xf32, #tpu.memory_space<vmem_shared>>
      %dma_wait3A_91 = arith.constant 0 : i32
      %dma_wait3A_92 = tpu.memref_slice %arg12[%add3A_12, %dma_wait3A_91] : memref<10240x128xf32, #tpu.memory_space<vmem_shared>> -> memref<80x128xf32, #tpu.memory_space<vmem_shared>>
      tpu.wait_dma2 semaphore(%run_scoped3A : memref<!tpu.dma_semaphore, #tpu.memory_space<semaphore_mem>>) src(%arg10 : memref<80x128xf32, #tpu.memory_space<vmem>>) dst(%dma_wait3A_92 : memref<80x128xf32, #tpu.memory_space<vmem_shared>>)
      tpu.yield
    }) : () -> ()
    %add3A_13 = arith.constant 240 : i32
    %add3A_14 = arith.addi %mul3A_4, %add3A_13 : i32
    "tpu.region"() ({
      %run_scoped3A = tpu.sem_alloc : memref<!tpu.dma_semaphore, #tpu.memory_space<semaphore_mem>>
      %dma_start3A = arith.constant 0 : i32
      %dma_start3A_87 = tpu.memref_slice %arg12[%add3A_14, %dma_start3A] : memref<10240x128xf32, #tpu.memory_space<vmem_shared>> -> memref<80x128xf32, #tpu.memory_space<vmem_shared>>
      %dma_start3A_88 = arith.constant 0 : i32
      %dma_start3A_89 = tpu.memref_slice %arg12[%add3A_14, %dma_start3A_88] : memref<10240x128xf32, #tpu.memory_space<vmem_shared>> -> memref<80x128xf32, #tpu.memory_space<vmem_shared>>
      tpu.enqueue_dma source(%arg10 : memref<80x128xf32, #tpu.memory_space<vmem>>) target(%dma_start3A_89 : memref<80x128xf32, #tpu.memory_space<vmem_shared>>) target_semaphore(%run_scoped3A : memref<!tpu.dma_semaphore, #tpu.memory_space<semaphore_mem>>)
      %dma_wait3A = arith.constant 0 : i32
      %dma_wait3A_90 = tpu.memref_slice %arg12[%add3A_14, %dma_wait3A] : memref<10240x128xf32, #tpu.memory_space<vmem_shared>> -> memref<80x128xf32, #tpu.memory_space<vmem_shared>>
      %dma_wait3A_91 = arith.constant 0 : i32
      %dma_wait3A_92 = tpu.memref_slice %arg12[%add3A_14, %dma_wait3A_91] : memref<10240x128xf32, #tpu.memory_space<vmem_shared>> -> memref<80x128xf32, #tpu.memory_space<vmem_shared>>
      tpu.wait_dma2 semaphore(%run_scoped3A : memref<!tpu.dma_semaphore, #tpu.memory_space<semaphore_mem>>) src(%arg10 : memref<80x128xf32, #tpu.memory_space<vmem>>) dst(%dma_wait3A_92 : memref<80x128xf32, #tpu.memory_space<vmem_shared>>)
      tpu.yield
    }) : () -> ()
    %add3A_15 = arith.constant 320 : i32
    %add3A_16 = arith.addi %mul3A_4, %add3A_15 : i32
    "tpu.region"() ({
      %run_scoped3A = tpu.sem_alloc : memref<!tpu.dma_semaphore, #tpu.memory_space<semaphore_mem>>
      %dma_start3A = arith.constant 0 : i32
      %dma_start3A_87 = tpu.memref_slice %arg12[%add3A_16, %dma_start3A] : memref<10240x128xf32, #tpu.memory_space<vmem_shared>> -> memref<80x128xf32, #tpu.memory_space<vmem_shared>>
      %dma_start3A_88 = arith.constant 0 : i32
      %dma_start3A_89 = tpu.memref_slice %arg12[%add3A_16, %dma_start3A_88] : memref<10240x128xf32, #tpu.memory_space<vmem_shared>> -> memref<80x128xf32, #tpu.memory_space<vmem_shared>>
      tpu.enqueue_dma source(%arg10 : memref<80x128xf32, #tpu.memory_space<vmem>>) target(%dma_start3A_89 : memref<80x128xf32, #tpu.memory_space<vmem_shared>>) target_semaphore(%run_scoped3A : memref<!tpu.dma_semaphore, #tpu.memory_space<semaphore_mem>>)
      %dma_wait3A = arith.constant 0 : i32
      %dma_wait3A_90 = tpu.memref_slice %arg12[%add3A_16, %dma_wait3A] : memref<10240x128xf32, #tpu.memory_space<vmem_shared>> -> memref<80x128xf32, #tpu.memory_space<vmem_shared>>
      %dma_wait3A_91 = arith.constant 0 : i32
      %dma_wait3A_92 = tpu.memref_slice %arg12[%add3A_16, %dma_wait3A_91] : memref<10240x128xf32, #tpu.memory_space<vmem_shared>> -> memref<80x128xf32, #tpu.memory_space<vmem_shared>>
      tpu.wait_dma2 semaphore(%run_scoped3A : memref<!tpu.dma_semaphore, #tpu.memory_space<semaphore_mem>>) src(%arg10 : memref<80x128xf32, #tpu.memory_space<vmem>>) dst(%dma_wait3A_92 : memref<80x128xf32, #tpu.memory_space<vmem_shared>>)
      tpu.yield
    }) : () -> ()
    %add3A_17 = arith.constant 400 : i32
    %add3A_18 = arith.addi %mul3A_4, %add3A_17 : i32
    "tpu.region"() ({
      %run_scoped3A = tpu.sem_alloc : memref<!tpu.dma_semaphore, #tpu.memory_space<semaphore_mem>>
      %dma_start3A = arith.constant 0 : i32
      %dma_start3A_87 = tpu.memref_slice %arg12[%add3A_18, %dma_start3A] : memref<10240x128xf32, #tpu.memory_space<vmem_shared>> -> memref<80x128xf32, #tpu.memory_space<vmem_shared>>
      %dma_start3A_88 = arith.constant 0 : i32
      %dma_start3A_89 = tpu.memref_slice %arg12[%add3A_18, %dma_start3A_88] : memref<10240x128xf32, #tpu.memory_space<vmem_shared>> -> memref<80x128xf32, #tpu.memory_space<vmem_shared>>
      tpu.enqueue_dma source(%arg10 : memref<80x128xf32, #tpu.memory_space<vmem>>) target(%dma_start3A_89 : memref<80x128xf32, #tpu.memory_space<vmem_shared>>) target_semaphore(%run_scoped3A : memref<!tpu.dma_semaphore, #tpu.memory_space<semaphore_mem>>)
      %dma_wait3A = arith.constant 0 : i32
      %dma_wait3A_90 = tpu.memref_slice %arg12[%add3A_18, %dma_wait3A] : memref<10240x128xf32, #tpu.memory_space<vmem_shared>> -> memref<80x128xf32, #tpu.memory_space<vmem_shared>>
      %dma_wait3A_91 = arith.constant 0 : i32
      %dma_wait3A_92 = tpu.memref_slice %arg12[%add3A_18, %dma_wait3A_91] : memref<10240x128xf32, #tpu.memory_space<vmem_shared>> -> memref<80x128xf32, #tpu.memory_space<vmem_shared>>
      tpu.wait_dma2 semaphore(%run_scoped3A : memref<!tpu.dma_semaphore, #tpu.memory_space<semaphore_mem>>) src(%arg10 : memref<80x128xf32, #tpu.memory_space<vmem>>) dst(%dma_wait3A_92 : memref<80x128xf32, #tpu.memory_space<vmem_shared>>)
      tpu.yield
    }) : () -> ()
    %add3A_19 = arith.constant 480 : i32
    %add3A_20 = arith.addi %mul3A_4, %add3A_19 : i32
    "tpu.region"() ({
      %run_scoped3A = tpu.sem_alloc : memref<!tpu.dma_semaphore, #tpu.memory_space<semaphore_mem>>
      %dma_start3A = arith.constant 0 : i32
      %dma_start3A_87 = tpu.memref_slice %arg12[%add3A_20, %dma_start3A] : memref<10240x128xf32, #tpu.memory_space<vmem_shared>> -> memref<80x128xf32, #tpu.memory_space<vmem_shared>>
      %dma_start3A_88 = arith.constant 0 : i32
      %dma_start3A_89 = tpu.memref_slice %arg12[%add3A_20, %dma_start3A_88] : memref<10240x128xf32, #tpu.memory_space<vmem_shared>> -> memref<80x128xf32, #tpu.memory_space<vmem_shared>>
      tpu.enqueue_dma source(%arg10 : memref<80x128xf32, #tpu.memory_space<vmem>>) target(%dma_start3A_89 : memref<80x128xf32, #tpu.memory_space<vmem_shared>>) target_semaphore(%run_scoped3A : memref<!tpu.dma_semaphore, #tpu.memory_space<semaphore_mem>>)
      %dma_wait3A = arith.constant 0 : i32
      %dma_wait3A_90 = tpu.memref_slice %arg12[%add3A_20, %dma_wait3A] : memref<10240x128xf32, #tpu.memory_space<vmem_shared>> -> memref<80x128xf32, #tpu.memory_space<vmem_shared>>
      %dma_wait3A_91 = arith.constant 0 : i32
      %dma_wait3A_92 = tpu.memref_slice %arg12[%add3A_20, %dma_wait3A_91] : memref<10240x128xf32, #tpu.memory_space<vmem_shared>> -> memref<80x128xf32, #tpu.memory_space<vmem_shared>>
      tpu.wait_dma2 semaphore(%run_scoped3A : memref<!tpu.dma_semaphore, #tpu.memory_space<semaphore_mem>>) src(%arg10 : memref<80x128xf32, #tpu.memory_space<vmem>>) dst(%dma_wait3A_92 : memref<80x128xf32, #tpu.memory_space<vmem_shared>>)
      tpu.yield
    }) : () -> ()
    %add3A_21 = arith.constant 560 : i32
    %add3A_22 = arith.addi %mul3A_4, %add3A_21 : i32
    "tpu.region"() ({
      %run_scoped3A = tpu.sem_alloc : memref<!tpu.dma_semaphore, #tpu.memory_space<semaphore_mem>>
      %dma_start3A = arith.constant 0 : i32
      %dma_start3A_87 = tpu.memref_slice %arg12[%add3A_22, %dma_start3A] : memref<10240x128xf32, #tpu.memory_space<vmem_shared>> -> memref<80x128xf32, #tpu.memory_space<vmem_shared>>
      %dma_start3A_88 = arith.constant 0 : i32
      %dma_start3A_89 = tpu.memref_slice %arg12[%add3A_22, %dma_start3A_88] : memref<10240x128xf32, #tpu.memory_space<vmem_shared>> -> memref<80x128xf32, #tpu.memory_space<vmem_shared>>
      tpu.enqueue_dma source(%arg10 : memref<80x128xf32, #tpu.memory_space<vmem>>) target(%dma_start3A_89 : memref<80x128xf32, #tpu.memory_space<vmem_shared>>) target_semaphore(%run_scoped3A : memref<!tpu.dma_semaphore, #tpu.memory_space<semaphore_mem>>)
      %dma_wait3A = arith.constant 0 : i32
      %dma_wait3A_90 = tpu.memref_slice %arg12[%add3A_22, %dma_wait3A] : memref<10240x128xf32, #tpu.memory_space<vmem_shared>> -> memref<80x128xf32, #tpu.memory_space<vmem_shared>>
      %dma_wait3A_91 = arith.constant 0 : i32
      %dma_wait3A_92 = tpu.memref_slice %arg12[%add3A_22, %dma_wait3A_91] : memref<10240x128xf32, #tpu.memory_space<vmem_shared>> -> memref<80x128xf32, #tpu.memory_space<vmem_shared>>
      tpu.wait_dma2 semaphore(%run_scoped3A : memref<!tpu.dma_semaphore, #tpu.memory_space<semaphore_mem>>) src(%arg10 : memref<80x128xf32, #tpu.memory_space<vmem>>) dst(%dma_wait3A_92 : memref<80x128xf32, #tpu.memory_space<vmem_shared>>)
      tpu.yield
    }) : () -> ()
    "tpu.region"() ({
      %run_scoped3A = tpu.sem_alloc : memref<!tpu.dma_semaphore, #tpu.memory_space<semaphore_mem>>
      %dma_start3A = arith.constant 0 : i32
      %dma_start3A_87 = tpu.memref_slice %arg13[%mul3A_6, %dma_start3A] : memref<1280x128xf32, #tpu.memory_space<vmem_shared>> -> memref<80x128xf32, #tpu.memory_space<vmem_shared>>
      %dma_start3A_88 = arith.constant 0 : i32
      %dma_start3A_89 = tpu.memref_slice %arg13[%mul3A_6, %dma_start3A_88] : memref<1280x128xf32, #tpu.memory_space<vmem_shared>> -> memref<80x128xf32, #tpu.memory_space<vmem_shared>>
      tpu.enqueue_dma source(%arg10 : memref<80x128xf32, #tpu.memory_space<vmem>>) target(%dma_start3A_89 : memref<80x128xf32, #tpu.memory_space<vmem_shared>>) target_semaphore(%run_scoped3A : memref<!tpu.dma_semaphore, #tpu.memory_space<semaphore_mem>>)
      %dma_wait3A = arith.constant 0 : i32
      %dma_wait3A_90 = tpu.memref_slice %arg13[%mul3A_6, %dma_wait3A] : memref<1280x128xf32, #tpu.memory_space<vmem_shared>> -> memref<80x128xf32, #tpu.memory_space<vmem_shared>>
      %dma_wait3A_91 = arith.constant 0 : i32
      %dma_wait3A_92 = tpu.memref_slice %arg13[%mul3A_6, %dma_wait3A_91] : memref<1280x128xf32, #tpu.memory_space<vmem_shared>> -> memref<80x128xf32, #tpu.memory_space<vmem_shared>>
      tpu.wait_dma2 semaphore(%run_scoped3A : memref<!tpu.dma_semaphore, #tpu.memory_space<semaphore_mem>>) src(%arg10 : memref<80x128xf32, #tpu.memory_space<vmem>>) dst(%dma_wait3A_92 : memref<80x128xf32, #tpu.memory_space<vmem_shared>>)
      tpu.yield
    }) : () -> ()
    %barrier3A = arith.constant 0 : index
    tpu.barrier barrier_id(%barrier3A)
    %scan3A = arith.constant 0 : i32
    %scan3A_23 = arith.constant 125 : i32
    %scan3A_24 = arith.addi %scan3A, %scan3A_23 : i32
    %scan3A_25 = arith.constant 1 : i32
    scf.for %scan3A_87 = %scan3A to %scan3A_24 step %scan3A_25  : i32 {
      %mul3A_88 = arith.constant 1 : i32
      %mul3A_89 = arith.muli %scan3A_87, %mul3A_88 : i32
      %add3A_90 = arith.constant 0 : i32
      %add3A_91 = arith.addi %add3A_90, %mul3A_89 : i32
      %mul3A_92 = arith.constant 80 : i32
      %mul3A_93 = arith.muli %add3A_91, %mul3A_92 : i32
      %add3A_94 = arith.addi %mul3A_2, %mul3A_93 : i32
      "tpu.region"() ({
        %run_scoped3A = tpu.sem_alloc : memref<!tpu.dma_semaphore, #tpu.memory_space<semaphore_mem>>
        %dma_start3A_156 = tpu.memref_slice %arg4[%add3A_94] : memref<320000xi32, #tpu.memory_space<hbm>> -> memref<80xi32, #tpu.memory_space<hbm>>
        %dma_start3A_157 = tpu.memref_slice %arg4[%add3A_94] : memref<320000xi32, #tpu.memory_space<hbm>> -> memref<80xi32, #tpu.memory_space<hbm>>
        tpu.enqueue_dma source(%dma_start3A_157 : memref<80xi32, #tpu.memory_space<hbm>>) target(%arg8 : memref<80xi32, #tpu.memory_space<vmem>>) target_semaphore(%run_scoped3A : memref<!tpu.dma_semaphore, #tpu.memory_space<semaphore_mem>>)
        %dma_wait3A_158 = tpu.memref_slice %arg4[%add3A_94] : memref<320000xi32, #tpu.memory_space<hbm>> -> memref<80xi32, #tpu.memory_space<hbm>>
        %dma_wait3A_159 = tpu.memref_slice %arg4[%add3A_94] : memref<320000xi32, #tpu.memory_space<hbm>> -> memref<80xi32, #tpu.memory_space<hbm>>
        tpu.wait_dma2 semaphore(%run_scoped3A : memref<!tpu.dma_semaphore, #tpu.memory_space<semaphore_mem>>) src(%dma_wait3A_159 : memref<80xi32, #tpu.memory_space<hbm>>) dst(%arg8 : memref<80xi32, #tpu.memory_space<vmem>>)
        tpu.yield
      }) : () -> ()
      %get3A = arith.constant 0 : index
      %get3A_95 = tpu.vector_load %arg8[%get3A] {strides = array<i32>} : memref<80xi32, #tpu.memory_space<vmem>>, vector<16xi32>,
      %get3A_96 = vector.shape_cast %get3A_95 : vector<16xi32> to vector<16xi32>
      %shift_right_logical3A = arith.constant 3 : i32
      %shift_right_logical3A_97 = vector.broadcast %shift_right_logical3A : i32 to vector<16xi32>
      %shift_right_logical3A_98 = arith.shrui %get3A_96, %shift_right_logical3A_97 : vector<16xi32>
      %swap3A = arith.constant 0 : index
      %swap3A_99 = tpu.vector_load %arg9[%swap3A] {strides = array<i32>} : memref<80xi32, #tpu.memory_space<vmem>>, vector<16xi32>,
      %swap3A_100 = vector.shape_cast %swap3A_99 : vector<16xi32> to vector<16xi32>
      %swap3A_101 = vector.shape_cast %shift_right_logical3A_98 : vector<16xi32> to vector<16xi32>
      tpu.vector_store %arg9[%swap3A], %swap3A_101 {strides = array<i32>} : memref<80xi32, #tpu.memory_space<vmem>>, vector<16xi32>,
      %get3A_102 = arith.constant 16 : index
      %get3A_103 = tpu.vector_load %arg8[%get3A_102] {strides = array<i32>} : memref<80xi32, #tpu.memory_space<vmem>>, vector<16xi32>,
      %get3A_104 = vector.shape_cast %get3A_103 : vector<16xi32> to vector<16xi32>
      %shift_right_logical3A_105 = arith.constant 3 : i32
      %shift_right_logical3A_106 = vector.broadcast %shift_right_logical3A_105 : i32 to vector<16xi32>
      %shift_right_logical3A_107 = arith.shrui %get3A_104, %shift_right_logical3A_106 : vector<16xi32>
      %swap3A_108 = arith.constant 16 : index
      %swap3A_109 = tpu.vector_load %arg9[%swap3A_108] {strides = array<i32>} : memref<80xi32, #tpu.memory_space<vmem>>, vector<16xi32>,
      %swap3A_110 = vector.shape_cast %swap3A_109 : vector<16xi32> to vector<16xi32>
      %swap3A_111 = vector.shape_cast %shift_right_logical3A_107 : vector<16xi32> to vector<16xi32>
      tpu.vector_store %arg9[%swap3A_108], %swap3A_111 {strides = array<i32>} : memref<80xi32, #tpu.memory_space<vmem>>, vector<16xi32>,
      %get3A_112 = arith.constant 32 : index
      %get3A_113 = tpu.vector_load %arg8[%get3A_112] {strides = array<i32>} : memref<80xi32, #tpu.memory_space<vmem>>, vector<16xi32>,
      %get3A_114 = vector.shape_cast %get3A_113 : vector<16xi32> to vector<16xi32>
      %shift_right_logical3A_115 = arith.constant 3 : i32
      %shift_right_logical3A_116 = vector.broadcast %shift_right_logical3A_115 : i32 to vector<16xi32>
      %shift_right_logical3A_117 = arith.shrui %get3A_114, %shift_right_logical3A_116 : vector<16xi32>
      %swap3A_118 = arith.constant 32 : index
      %swap3A_119 = tpu.vector_load %arg9[%swap3A_118] {strides = array<i32>} : memref<80xi32, #tpu.memory_space<vmem>>, vector<16xi32>,
      %swap3A_120 = vector.shape_cast %swap3A_119 : vector<16xi32> to vector<16xi32>
      %swap3A_121 = vector.shape_cast %shift_right_logical3A_117 : vector<16xi32> to vector<16xi32>
      tpu.vector_store %arg9[%swap3A_118], %swap3A_121 {strides = array<i32>} : memref<80xi32, #tpu.memory_space<vmem>>, vector<16xi32>,
      %get3A_122 = arith.constant 48 : index
      %get3A_123 = tpu.vector_load %arg8[%get3A_122] {strides = array<i32>} : memref<80xi32, #tpu.memory_space<vmem>>, vector<16xi32>,
      %get3A_124 = vector.shape_cast %get3A_123 : vector<16xi32> to vector<16xi32>
      %shift_right_logical3A_125 = arith.constant 3 : i32
      %shift_right_logical3A_126 = vector.broadcast %shift_right_logical3A_125 : i32 to vector<16xi32>
      %shift_right_logical3A_127 = arith.shrui %get3A_124, %shift_right_logical3A_126 : vector<16xi32>
      %swap3A_128 = arith.constant 48 : index
      %swap3A_129 = tpu.vector_load %arg9[%swap3A_128] {strides = array<i32>} : memref<80xi32, #tpu.memory_space<vmem>>, vector<16xi32>,
      %swap3A_130 = vector.shape_cast %swap3A_129 : vector<16xi32> to vector<16xi32>
      %swap3A_131 = vector.shape_cast %shift_right_logical3A_127 : vector<16xi32> to vector<16xi32>
      tpu.vector_store %arg9[%swap3A_128], %swap3A_131 {strides = array<i32>} : memref<80xi32, #tpu.memory_space<vmem>>, vector<16xi32>,
      %get3A_132 = arith.constant 64 : index
      %get3A_133 = tpu.vector_load %arg8[%get3A_132] {strides = array<i32>} : memref<80xi32, #tpu.memory_space<vmem>>, vector<16xi32>,
      %get3A_134 = vector.shape_cast %get3A_133 : vector<16xi32> to vector<16xi32>
      %shift_right_logical3A_135 = arith.constant 3 : i32
      %shift_right_logical3A_136 = vector.broadcast %shift_right_logical3A_135 : i32 to vector<16xi32>
      %shift_right_logical3A_137 = arith.shrui %get3A_134, %shift_right_logical3A_136 : vector<16xi32>
      %swap3A_138 = arith.constant 64 : index
      %swap3A_139 = tpu.vector_load %arg9[%swap3A_138] {strides = array<i32>} : memref<80xi32, #tpu.memory_space<vmem>>, vector<16xi32>,
      %swap3A_140 = vector.shape_cast %swap3A_139 : vector<16xi32> to vector<16xi32>
      %swap3A_141 = vector.shape_cast %shift_right_logical3A_137 : vector<16xi32> to vector<16xi32>
      tpu.vector_store %arg9[%swap3A_138], %swap3A_141 {strides = array<i32>} : memref<80xi32, #tpu.memory_space<vmem>>, vector<16xi32>,
      %dma_start3A = arith.constant 0 : i32
      %dma_start3A_142 = tpu.memref_slice %arg2[%add3A_94, %dma_start3A] : memref<320000x128xf32, #tpu.memory_space<hbm>> -> memref<80x128xf32, #tpu.memory_space<hbm>>
      %dma_start3A_143 = arith.constant 0 : i32
      %dma_start3A_144 = tpu.memref_slice %arg2[%add3A_94, %dma_start3A_143] : memref<320000x128xf32, #tpu.memory_space<hbm>> -> memref<80x128xf32, #tpu.memory_space<hbm>>
      tpu.enqueue_dma source(%dma_start3A_144 : memref<80x128xf32, #tpu.memory_space<hbm>>) target(%arg10 : memref<80x128xf32, #tpu.memory_space<vmem>>) target_semaphore(%arg14 : memref<!tpu.dma_semaphore, #tpu.memory_space<semaphore_mem>>)
      %dma_start3A_145 = arith.constant 0 : i32
      %dma_start3A_146 = tpu.memref_slice %arg3[%add3A_94, %dma_start3A_145] : memref<320000x128xf32, #tpu.memory_space<hbm>> -> memref<80x128xf32, #tpu.memory_space<hbm>>
      %dma_start3A_147 = arith.constant 0 : i32
      %dma_start3A_148 = tpu.memref_slice %arg3[%add3A_94, %dma_start3A_147] : memref<320000x128xf32, #tpu.memory_space<hbm>> -> memref<80x128xf32, #tpu.memory_space<hbm>>
      tpu.enqueue_dma source(%dma_start3A_148 : memref<80x128xf32, #tpu.memory_space<hbm>>) target(%arg11 : memref<80x128xf32, #tpu.memory_space<vmem>>) target_semaphore(%arg15 : memref<!tpu.dma_semaphore, #tpu.memory_space<semaphore_mem>>)
      %dma_wait3A = arith.constant 0 : i32
      %dma_wait3A_149 = tpu.memref_slice %arg2[%add3A_94, %dma_wait3A] : memref<320000x128xf32, #tpu.memory_space<hbm>> -> memref<80x128xf32, #tpu.memory_space<hbm>>
      %dma_wait3A_150 = arith.constant 0 : i32
      %dma_wait3A_151 = tpu.memref_slice %arg2[%add3A_94, %dma_wait3A_150] : memref<320000x128xf32, #tpu.memory_space<hbm>> -> memref<80x128xf32, #tpu.memory_space<hbm>>
      tpu.wait_dma2 semaphore(%arg14 : memref<!tpu.dma_semaphore, #tpu.memory_space<semaphore_mem>>) src(%dma_wait3A_151 : memref<80x128xf32, #tpu.memory_space<hbm>>) dst(%arg10 : memref<80x128xf32, #tpu.memory_space<vmem>>)
      %dma_wait3A_152 = arith.constant 0 : i32
      %dma_wait3A_153 = tpu.memref_slice %arg3[%add3A_94, %dma_wait3A_152] : memref<320000x128xf32, #tpu.memory_space<hbm>> -> memref<80x128xf32, #tpu.memory_space<hbm>>
      %dma_wait3A_154 = arith.constant 0 : i32
      %dma_wait3A_155 = tpu.memref_slice %arg3[%add3A_94, %dma_wait3A_154] : memref<320000x128xf32, #tpu.memory_space<hbm>> -> memref<80x128xf32, #tpu.memory_space<hbm>>
      tpu.wait_dma2 semaphore(%arg15 : memref<!tpu.dma_semaphore, #tpu.memory_space<semaphore_mem>>) src(%dma_wait3A_155 : memref<80x128xf32, #tpu.memory_space<hbm>>) dst(%arg11 : memref<80x128xf32, #tpu.memory_space<vmem>>)
      "tpu.region"() ({
        %run_scoped3A = tpu.sem_alloc : memref<!tpu.dma_semaphore, #tpu.memory_space<semaphore_mem>>
        %dma_start3A_156 = arith.constant 0 : i32
        %dma_start3A_157 = arith.constant 0 : i32
        %dma_start3A_158 = tpu.memref_slice %arg12[%dma_start3A_156, %dma_start3A_157] : memref<10240x128xf32, #tpu.memory_space<vmem_shared>> -> memref<10240x128xf32, #tpu.memory_space<vmem_shared>>
        tpu.enqueue_indirect_dma source(%arg10 : memref<80x128xf32, #tpu.memory_space<vmem>>) target(%dma_start3A_158 : memref<10240x128xf32, #tpu.memory_space<vmem_shared>>) offsets(%arg8 : memref<80xi32, #tpu.memory_space<vmem>>) semaphore(%run_scoped3A : memref<!tpu.dma_semaphore, #tpu.memory_space<semaphore_mem>>) {add = true}
        %dma_wait3A_159 = arith.constant 0 : i32
        %dma_wait3A_160 = arith.constant 0 : i32
        %dma_wait3A_161 = tpu.memref_slice %arg12[%dma_wait3A_159, %dma_wait3A_160] : memref<10240x128xf32, #tpu.memory_space<vmem_shared>> -> memref<10240x128xf32, #tpu.memory_space<vmem_shared>>
        tpu.wait_indirect_dma semaphore(%run_scoped3A : memref<!tpu.dma_semaphore, #tpu.memory_space<semaphore_mem>>) src(%arg10 : memref<80x128xf32, #tpu.memory_space<vmem>>) dst(%dma_wait3A_161 : memref<10240x128xf32, #tpu.memory_space<vmem_shared>>)
        tpu.yield
      }) : () -> ()
      "tpu.region"() ({
        %run_scoped3A = tpu.sem_alloc : memref<!tpu.dma_semaphore, #tpu.memory_space<semaphore_mem>>
        %dma_start3A_156 = arith.constant 0 : i32
        %dma_start3A_157 = arith.constant 0 : i32
        %dma_start3A_158 = tpu.memref_slice %arg13[%dma_start3A_156, %dma_start3A_157] : memref<1280x128xf32, #tpu.memory_space<vmem_shared>> -> memref<1280x128xf32, #tpu.memory_space<vmem_shared>>
        tpu.enqueue_indirect_dma source(%arg11 : memref<80x128xf32, #tpu.memory_space<vmem>>) target(%dma_start3A_158 : memref<1280x128xf32, #tpu.memory_space<vmem_shared>>) offsets(%arg9 : memref<80xi32, #tpu.memory_space<vmem>>) semaphore(%run_scoped3A : memref<!tpu.dma_semaphore, #tpu.memory_space<semaphore_mem>>) {add = true}
        %dma_wait3A_159 = arith.constant 0 : i32
        %dma_wait3A_160 = arith.constant 0 : i32
        %dma_wait3A_161 = tpu.memref_slice %arg13[%dma_wait3A_159, %dma_wait3A_160] : memref<1280x128xf32, #tpu.memory_space<vmem_shared>> -> memref<1280x128xf32, #tpu.memory_space<vmem_shared>>
        tpu.wait_indirect_dma semaphore(%run_scoped3A : memref<!tpu.dma_semaphore, #tpu.memory_space<semaphore_mem>>) src(%arg11 : memref<80x128xf32, #tpu.memory_space<vmem>>) dst(%dma_wait3A_161 : memref<1280x128xf32, #tpu.memory_space<vmem_shared>>)
        tpu.yield
      }) : () -> ()
    }
    %scan3A_26 = arith.constant 125 : i32
    %barrier3A_27 = arith.constant 0 : index
    tpu.barrier barrier_id(%barrier3A_27)
    %add3A_28 = arith.constant 0 : i32
    %add3A_29 = arith.addi %mul3A_4, %add3A_28 : i32
    "tpu.region"() ({
      %run_scoped3A = tpu.sem_alloc : memref<!tpu.dma_semaphore, #tpu.memory_space<semaphore_mem>>
      %dma_start3A = arith.constant 0 : i32
      %dma_start3A_87 = tpu.memref_slice %arg12[%add3A_29, %dma_start3A] : memref<10240x128xf32, #tpu.memory_space<vmem_shared>> -> memref<80x128xf32, #tpu.memory_space<vmem_shared>>
      %dma_start3A_88 = arith.constant 0 : i32
      %dma_start3A_89 = tpu.memref_slice %arg12[%add3A_29, %dma_start3A_88] : memref<10240x128xf32, #tpu.memory_space<vmem_shared>> -> memref<80x128xf32, #tpu.memory_space<vmem_shared>>
      tpu.enqueue_dma source(%dma_start3A_89 : memref<80x128xf32, #tpu.memory_space<vmem_shared>>) target(%arg10 : memref<80x128xf32, #tpu.memory_space<vmem>>) target_semaphore(%run_scoped3A : memref<!tpu.dma_semaphore, #tpu.memory_space<semaphore_mem>>)
      %dma_wait3A = arith.constant 0 : i32
      %dma_wait3A_90 = tpu.memref_slice %arg12[%add3A_29, %dma_wait3A] : memref<10240x128xf32, #tpu.memory_space<vmem_shared>> -> memref<80x128xf32, #tpu.memory_space<vmem_shared>>
      %dma_wait3A_91 = arith.constant 0 : i32
      %dma_wait3A_92 = tpu.memref_slice %arg12[%add3A_29, %dma_wait3A_91] : memref<10240x128xf32, #tpu.memory_space<vmem_shared>> -> memref<80x128xf32, #tpu.memory_space<vmem_shared>>
      tpu.wait_dma2 semaphore(%run_scoped3A : memref<!tpu.dma_semaphore, #tpu.memory_space<semaphore_mem>>) src(%dma_wait3A_92 : memref<80x128xf32, #tpu.memory_space<vmem_shared>>) dst(%arg10 : memref<80x128xf32, #tpu.memory_space<vmem>>)
      tpu.yield
    }) : () -> ()
    %mul3A_30 = arith.constant 10240 : i32
    %mul3A_31 = arith.muli %arg0, %mul3A_30 : i32
    %add3A_32 = arith.addi %mul3A_31, %mul3A_4 : i32
    %add3A_33 = arith.constant 0 : i32
    %add3A_34 = arith.addi %add3A_32, %add3A_33 : i32
    "tpu.region"() ({
      %run_scoped3A = tpu.sem_alloc : memref<!tpu.dma_semaphore, #tpu.memory_space<semaphore_mem>>
      %dma_start3A = arith.constant 0 : i32
      %dma_start3A_87 = tpu.memref_slice %arg6[%add3A_34, %dma_start3A] : memref<20480x128xf32, #tpu.memory_space<hbm>> -> memref<80x128xf32, #tpu.memory_space<hbm>>
      %dma_start3A_88 = arith.constant 0 : i32
      %dma_start3A_89 = tpu.memref_slice %arg6[%add3A_34, %dma_start3A_88] : memref<20480x128xf32, #tpu.memory_space<hbm>> -> memref<80x128xf32, #tpu.memory_space<hbm>>
      tpu.enqueue_dma source(%arg10 : memref<80x128xf32, #tpu.memory_space<vmem>>) target(%dma_start3A_89 : memref<80x128xf32, #tpu.memory_space<hbm>>) target_semaphore(%run_scoped3A : memref<!tpu.dma_semaphore, #tpu.memory_space<semaphore_mem>>)
      %dma_wait3A = arith.constant 0 : i32
      %dma_wait3A_90 = tpu.memref_slice %arg6[%add3A_34, %dma_wait3A] : memref<20480x128xf32, #tpu.memory_space<hbm>> -> memref<80x128xf32, #tpu.memory_space<hbm>>
      %dma_wait3A_91 = arith.constant 0 : i32
      %dma_wait3A_92 = tpu.memref_slice %arg6[%add3A_34, %dma_wait3A_91] : memref<20480x128xf32, #tpu.memory_space<hbm>> -> memref<80x128xf32, #tpu.memory_space<hbm>>
      tpu.wait_dma2 semaphore(%run_scoped3A : memref<!tpu.dma_semaphore, #tpu.memory_space<semaphore_mem>>) src(%arg10 : memref<80x128xf32, #tpu.memory_space<vmem>>) dst(%dma_wait3A_92 : memref<80x128xf32, #tpu.memory_space<hbm>>)
      tpu.yield
    }) : () -> ()
    %add3A_35 = arith.constant 80 : i32
    %add3A_36 = arith.addi %mul3A_4, %add3A_35 : i32
    "tpu.region"() ({
      %run_scoped3A = tpu.sem_alloc : memref<!tpu.dma_semaphore, #tpu.memory_space<semaphore_mem>>
      %dma_start3A = arith.constant 0 : i32
      %dma_start3A_87 = tpu.memref_slice %arg12[%add3A_36, %dma_start3A] : memref<10240x128xf32, #tpu.memory_space<vmem_shared>> -> memref<80x128xf32, #tpu.memory_space<vmem_shared>>
      %dma_start3A_88 = arith.constant 0 : i32
      %dma_start3A_89 = tpu.memref_slice %arg12[%add3A_36, %dma_start3A_88] : memref<10240x128xf32, #tpu.memory_space<vmem_shared>> -> memref<80x128xf32, #tpu.memory_space<vmem_shared>>
      tpu.enqueue_dma source(%dma_start3A_89 : memref<80x128xf32, #tpu.memory_space<vmem_shared>>) target(%arg10 : memref<80x128xf32, #tpu.memory_space<vmem>>) target_semaphore(%run_scoped3A : memref<!tpu.dma_semaphore, #tpu.memory_space<semaphore_mem>>)
      %dma_wait3A = arith.constant 0 : i32
      %dma_wait3A_90 = tpu.memref_slice %arg12[%add3A_36, %dma_wait3A] : memref<10240x128xf32, #tpu.memory_space<vmem_shared>> -> memref<80x128xf32, #tpu.memory_space<vmem_shared>>
      %dma_wait3A_91 = arith.constant 0 : i32
      %dma_wait3A_92 = tpu.memref_slice %arg12[%add3A_36, %dma_wait3A_91] : memref<10240x128xf32, #tpu.memory_space<vmem_shared>> -> memref<80x128xf32, #tpu.memory_space<vmem_shared>>
      tpu.wait_dma2 semaphore(%run_scoped3A : memref<!tpu.dma_semaphore, #tpu.memory_space<semaphore_mem>>) src(%dma_wait3A_92 : memref<80x128xf32, #tpu.memory_space<vmem_shared>>) dst(%arg10 : memref<80x128xf32, #tpu.memory_space<vmem>>)
      tpu.yield
    }) : () -> ()
    %mul3A_37 = arith.constant 10240 : i32
    %mul3A_38 = arith.muli %arg0, %mul3A_37 : i32
    %add3A_39 = arith.addi %mul3A_38, %mul3A_4 : i32
    %add3A_40 = arith.constant 80 : i32
    %add3A_41 = arith.addi %add3A_39, %add3A_40 : i32
    "tpu.region"() ({
      %run_scoped3A = tpu.sem_alloc : memref<!tpu.dma_semaphore, #tpu.memory_space<semaphore_mem>>
      %dma_start3A = arith.constant 0 : i32
      %dma_start3A_87 = tpu.memref_slice %arg6[%add3A_41, %dma_start3A] : memref<20480x128xf32, #tpu.memory_space<hbm>> -> memref<80x128xf32, #tpu.memory_space<hbm>>
      %dma_start3A_88 = arith.constant 0 : i32
      %dma_start3A_89 = tpu.memref_slice %arg6[%add3A_41, %dma_start3A_88] : memref<20480x128xf32, #tpu.memory_space<hbm>> -> memref<80x128xf32, #tpu.memory_space<hbm>>
      tpu.enqueue_dma source(%arg10 : memref<80x128xf32, #tpu.memory_space<vmem>>) target(%dma_start3A_89 : memref<80x128xf32, #tpu.memory_space<hbm>>) target_semaphore(%run_scoped3A : memref<!tpu.dma_semaphore, #tpu.memory_space<semaphore_mem>>)
      %dma_wait3A = arith.constant 0 : i32
      %dma_wait3A_90 = tpu.memref_slice %arg6[%add3A_41, %dma_wait3A] : memref<20480x128xf32, #tpu.memory_space<hbm>> -> memref<80x128xf32, #tpu.memory_space<hbm>>
      %dma_wait3A_91 = arith.constant 0 : i32
      %dma_wait3A_92 = tpu.memref_slice %arg6[%add3A_41, %dma_wait3A_91] : memref<20480x128xf32, #tpu.memory_space<hbm>> -> memref<80x128xf32, #tpu.memory_space<hbm>>
      tpu.wait_dma2 semaphore(%run_scoped3A : memref<!tpu.dma_semaphore, #tpu.memory_space<semaphore_mem>>) src(%arg10 : memref<80x128xf32, #tpu.memory_space<vmem>>) dst(%dma_wait3A_92 : memref<80x128xf32, #tpu.memory_space<hbm>>)
      tpu.yield
    }) : () -> ()
    %add3A_42 = arith.constant 160 : i32
    %add3A_43 = arith.addi %mul3A_4, %add3A_42 : i32
    "tpu.region"() ({
      %run_scoped3A = tpu.sem_alloc : memref<!tpu.dma_semaphore, #tpu.memory_space<semaphore_mem>>
      %dma_start3A = arith.constant 0 : i32
      %dma_start3A_87 = tpu.memref_slice %arg12[%add3A_43, %dma_start3A] : memref<10240x128xf32, #tpu.memory_space<vmem_shared>> -> memref<80x128xf32, #tpu.memory_space<vmem_shared>>
      %dma_start3A_88 = arith.constant 0 : i32
      %dma_start3A_89 = tpu.memref_slice %arg12[%add3A_43, %dma_start3A_88] : memref<10240x128xf32, #tpu.memory_space<vmem_shared>> -> memref<80x128xf32, #tpu.memory_space<vmem_shared>>
      tpu.enqueue_dma source(%dma_start3A_89 : memref<80x128xf32, #tpu.memory_space<vmem_shared>>) target(%arg10 : memref<80x128xf32, #tpu.memory_space<vmem>>) target_semaphore(%run_scoped3A : memref<!tpu.dma_semaphore, #tpu.memory_space<semaphore_mem>>)
      %dma_wait3A = arith.constant 0 : i32
      %dma_wait3A_90 = tpu.memref_slice %arg12[%add3A_43, %dma_wait3A] : memref<10240x128xf32, #tpu.memory_space<vmem_shared>> -> memref<80x128xf32, #tpu.memory_space<vmem_shared>>
      %dma_wait3A_91 = arith.constant 0 : i32
      %dma_wait3A_92 = tpu.memref_slice %arg12[%add3A_43, %dma_wait3A_91] : memref<10240x128xf32, #tpu.memory_space<vmem_shared>> -> memref<80x128xf32, #tpu.memory_space<vmem_shared>>
      tpu.wait_dma2 semaphore(%run_scoped3A : memref<!tpu.dma_semaphore, #tpu.memory_space<semaphore_mem>>) src(%dma_wait3A_92 : memref<80x128xf32, #tpu.memory_space<vmem_shared>>) dst(%arg10 : memref<80x128xf32, #tpu.memory_space<vmem>>)
      tpu.yield
    }) : () -> ()
    %mul3A_44 = arith.constant 10240 : i32
    %mul3A_45 = arith.muli %arg0, %mul3A_44 : i32
    %add3A_46 = arith.addi %mul3A_45, %mul3A_4 : i32
    %add3A_47 = arith.constant 160 : i32
    %add3A_48 = arith.addi %add3A_46, %add3A_47 : i32
    "tpu.region"() ({
      %run_scoped3A = tpu.sem_alloc : memref<!tpu.dma_semaphore, #tpu.memory_space<semaphore_mem>>
      %dma_start3A = arith.constant 0 : i32
      %dma_start3A_87 = tpu.memref_slice %arg6[%add3A_48, %dma_start3A] : memref<20480x128xf32, #tpu.memory_space<hbm>> -> memref<80x128xf32, #tpu.memory_space<hbm>>
      %dma_start3A_88 = arith.constant 0 : i32
      %dma_start3A_89 = tpu.memref_slice %arg6[%add3A_48, %dma_start3A_88] : memref<20480x128xf32, #tpu.memory_space<hbm>> -> memref<80x128xf32, #tpu.memory_space<hbm>>
      tpu.enqueue_dma source(%arg10 : memref<80x128xf32, #tpu.memory_space<vmem>>) target(%dma_start3A_89 : memref<80x128xf32, #tpu.memory_space<hbm>>) target_semaphore(%run_scoped3A : memref<!tpu.dma_semaphore, #tpu.memory_space<semaphore_mem>>)
      %dma_wait3A = arith.constant 0 : i32
      %dma_wait3A_90 = tpu.memref_slice %arg6[%add3A_48, %dma_wait3A] : memref<20480x128xf32, #tpu.memory_space<hbm>> -> memref<80x128xf32, #tpu.memory_space<hbm>>
      %dma_wait3A_91 = arith.constant 0 : i32
      %dma_wait3A_92 = tpu.memref_slice %arg6[%add3A_48, %dma_wait3A_91] : memref<20480x128xf32, #tpu.memory_space<hbm>> -> memref<80x128xf32, #tpu.memory_space<hbm>>
      tpu.wait_dma2 semaphore(%run_scoped3A : memref<!tpu.dma_semaphore, #tpu.memory_space<semaphore_mem>>) src(%arg10 : memref<80x128xf32, #tpu.memory_space<vmem>>) dst(%dma_wait3A_92 : memref<80x128xf32, #tpu.memory_space<hbm>>)
      tpu.yield
    }) : () -> ()
    %add3A_49 = arith.constant 240 : i32
    %add3A_50 = arith.addi %mul3A_4, %add3A_49 : i32
    "tpu.region"() ({
      %run_scoped3A = tpu.sem_alloc : memref<!tpu.dma_semaphore, #tpu.memory_space<semaphore_mem>>
      %dma_start3A = arith.constant 0 : i32
      %dma_start3A_87 = tpu.memref_slice %arg12[%add3A_50, %dma_start3A] : memref<10240x128xf32, #tpu.memory_space<vmem_shared>> -> memref<80x128xf32, #tpu.memory_space<vmem_shared>>
      %dma_start3A_88 = arith.constant 0 : i32
      %dma_start3A_89 = tpu.memref_slice %arg12[%add3A_50, %dma_start3A_88] : memref<10240x128xf32, #tpu.memory_space<vmem_shared>> -> memref<80x128xf32, #tpu.memory_space<vmem_shared>>
      tpu.enqueue_dma source(%dma_start3A_89 : memref<80x128xf32, #tpu.memory_space<vmem_shared>>) target(%arg10 : memref<80x128xf32, #tpu.memory_space<vmem>>) target_semaphore(%run_scoped3A : memref<!tpu.dma_semaphore, #tpu.memory_space<semaphore_mem>>)
      %dma_wait3A = arith.constant 0 : i32
      %dma_wait3A_90 = tpu.memref_slice %arg12[%add3A_50, %dma_wait3A] : memref<10240x128xf32, #tpu.memory_space<vmem_shared>> -> memref<80x128xf32, #tpu.memory_space<vmem_shared>>
      %dma_wait3A_91 = arith.constant 0 : i32
      %dma_wait3A_92 = tpu.memref_slice %arg12[%add3A_50, %dma_wait3A_91] : memref<10240x128xf32, #tpu.memory_space<vmem_shared>> -> memref<80x128xf32, #tpu.memory_space<vmem_shared>>
      tpu.wait_dma2 semaphore(%run_scoped3A : memref<!tpu.dma_semaphore, #tpu.memory_space<semaphore_mem>>) src(%dma_wait3A_92 : memref<80x128xf32, #tpu.memory_space<vmem_shared>>) dst(%arg10 : memref<80x128xf32, #tpu.memory_space<vmem>>)
      tpu.yield
    }) : () -> ()
    %mul3A_51 = arith.constant 10240 : i32
    %mul3A_52 = arith.muli %arg0, %mul3A_51 : i32
    %add3A_53 = arith.addi %mul3A_52, %mul3A_4 : i32
    %add3A_54 = arith.constant 240 : i32
    %add3A_55 = arith.addi %add3A_53, %add3A_54 : i32
    "tpu.region"() ({
      %run_scoped3A = tpu.sem_alloc : memref<!tpu.dma_semaphore, #tpu.memory_space<semaphore_mem>>
      %dma_start3A = arith.constant 0 : i32
      %dma_start3A_87 = tpu.memref_slice %arg6[%add3A_55, %dma_start3A] : memref<20480x128xf32, #tpu.memory_space<hbm>> -> memref<80x128xf32, #tpu.memory_space<hbm>>
      %dma_start3A_88 = arith.constant 0 : i32
      %dma_start3A_89 = tpu.memref_slice %arg6[%add3A_55, %dma_start3A_88] : memref<20480x128xf32, #tpu.memory_space<hbm>> -> memref<80x128xf32, #tpu.memory_space<hbm>>
      tpu.enqueue_dma source(%arg10 : memref<80x128xf32, #tpu.memory_space<vmem>>) target(%dma_start3A_89 : memref<80x128xf32, #tpu.memory_space<hbm>>) target_semaphore(%run_scoped3A : memref<!tpu.dma_semaphore, #tpu.memory_space<semaphore_mem>>)
      %dma_wait3A = arith.constant 0 : i32
      %dma_wait3A_90 = tpu.memref_slice %arg6[%add3A_55, %dma_wait3A] : memref<20480x128xf32, #tpu.memory_space<hbm>> -> memref<80x128xf32, #tpu.memory_space<hbm>>
      %dma_wait3A_91 = arith.constant 0 : i32
      %dma_wait3A_92 = tpu.memref_slice %arg6[%add3A_55, %dma_wait3A_91] : memref<20480x128xf32, #tpu.memory_space<hbm>> -> memref<80x128xf32, #tpu.memory_space<hbm>>
      tpu.wait_dma2 semaphore(%run_scoped3A : memref<!tpu.dma_semaphore, #tpu.memory_space<semaphore_mem>>) src(%arg10 : memref<80x128xf32, #tpu.memory_space<vmem>>) dst(%dma_wait3A_92 : memref<80x128xf32, #tpu.memory_space<hbm>>)
      tpu.yield
    }) : () -> ()
    %add3A_56 = arith.constant 320 : i32
    %add3A_57 = arith.addi %mul3A_4, %add3A_56 : i32
    "tpu.region"() ({
      %run_scoped3A = tpu.sem_alloc : memref<!tpu.dma_semaphore, #tpu.memory_space<semaphore_mem>>
      %dma_start3A = arith.constant 0 : i32
      %dma_start3A_87 = tpu.memref_slice %arg12[%add3A_57, %dma_start3A] : memref<10240x128xf32, #tpu.memory_space<vmem_shared>> -> memref<80x128xf32, #tpu.memory_space<vmem_shared>>
      %dma_start3A_88 = arith.constant 0 : i32
      %dma_start3A_89 = tpu.memref_slice %arg12[%add3A_57, %dma_start3A_88] : memref<10240x128xf32, #tpu.memory_space<vmem_shared>> -> memref<80x128xf32, #tpu.memory_space<vmem_shared>>
      tpu.enqueue_dma source(%dma_start3A_89 : memref<80x128xf32, #tpu.memory_space<vmem_shared>>) target(%arg10 : memref<80x128xf32, #tpu.memory_space<vmem>>) target_semaphore(%run_scoped3A : memref<!tpu.dma_semaphore, #tpu.memory_space<semaphore_mem>>)
      %dma_wait3A = arith.constant 0 : i32
      %dma_wait3A_90 = tpu.memref_slice %arg12[%add3A_57, %dma_wait3A] : memref<10240x128xf32, #tpu.memory_space<vmem_shared>> -> memref<80x128xf32, #tpu.memory_space<vmem_shared>>
      %dma_wait3A_91 = arith.constant 0 : i32
      %dma_wait3A_92 = tpu.memref_slice %arg12[%add3A_57, %dma_wait3A_91] : memref<10240x128xf32, #tpu.memory_space<vmem_shared>> -> memref<80x128xf32, #tpu.memory_space<vmem_shared>>
      tpu.wait_dma2 semaphore(%run_scoped3A : memref<!tpu.dma_semaphore, #tpu.memory_space<semaphore_mem>>) src(%dma_wait3A_92 : memref<80x128xf32, #tpu.memory_space<vmem_shared>>) dst(%arg10 : memref<80x128xf32, #tpu.memory_space<vmem>>)
      tpu.yield
    }) : () -> ()
    %mul3A_58 = arith.constant 10240 : i32
    %mul3A_59 = arith.muli %arg0, %mul3A_58 : i32
    %add3A_60 = arith.addi %mul3A_59, %mul3A_4 : i32
    %add3A_61 = arith.constant 320 : i32
    %add3A_62 = arith.addi %add3A_60, %add3A_61 : i32
    "tpu.region"() ({
      %run_scoped3A = tpu.sem_alloc : memref<!tpu.dma_semaphore, #tpu.memory_space<semaphore_mem>>
      %dma_start3A = arith.constant 0 : i32
      %dma_start3A_87 = tpu.memref_slice %arg6[%add3A_62, %dma_start3A] : memref<20480x128xf32, #tpu.memory_space<hbm>> -> memref<80x128xf32, #tpu.memory_space<hbm>>
      %dma_start3A_88 = arith.constant 0 : i32
      %dma_start3A_89 = tpu.memref_slice %arg6[%add3A_62, %dma_start3A_88] : memref<20480x128xf32, #tpu.memory_space<hbm>> -> memref<80x128xf32, #tpu.memory_space<hbm>>
      tpu.enqueue_dma source(%arg10 : memref<80x128xf32, #tpu.memory_space<vmem>>) target(%dma_start3A_89 : memref<80x128xf32, #tpu.memory_space<hbm>>) target_semaphore(%run_scoped3A : memref<!tpu.dma_semaphore, #tpu.memory_space<semaphore_mem>>)
      %dma_wait3A = arith.constant 0 : i32
      %dma_wait3A_90 = tpu.memref_slice %arg6[%add3A_62, %dma_wait3A] : memref<20480x128xf32, #tpu.memory_space<hbm>> -> memref<80x128xf32, #tpu.memory_space<hbm>>
      %dma_wait3A_91 = arith.constant 0 : i32
      %dma_wait3A_92 = tpu.memref_slice %arg6[%add3A_62, %dma_wait3A_91] : memref<20480x128xf32, #tpu.memory_space<hbm>> -> memref<80x128xf32, #tpu.memory_space<hbm>>
      tpu.wait_dma2 semaphore(%run_scoped3A : memref<!tpu.dma_semaphore, #tpu.memory_space<semaphore_mem>>) src(%arg10 : memref<80x128xf32, #tpu.memory_space<vmem>>) dst(%dma_wait3A_92 : memref<80x128xf32, #tpu.memory_space<hbm>>)
      tpu.yield
    }) : () -> ()
    %add3A_63 = arith.constant 400 : i32
    %add3A_64 = arith.addi %mul3A_4, %add3A_63 : i32
    "tpu.region"() ({
      %run_scoped3A = tpu.sem_alloc : memref<!tpu.dma_semaphore, #tpu.memory_space<semaphore_mem>>
      %dma_start3A = arith.constant 0 : i32
      %dma_start3A_87 = tpu.memref_slice %arg12[%add3A_64, %dma_start3A] : memref<10240x128xf32, #tpu.memory_space<vmem_shared>> -> memref<80x128xf32, #tpu.memory_space<vmem_shared>>
      %dma_start3A_88 = arith.constant 0 : i32
      %dma_start3A_89 = tpu.memref_slice %arg12[%add3A_64, %dma_start3A_88] : memref<10240x128xf32, #tpu.memory_space<vmem_shared>> -> memref<80x128xf32, #tpu.memory_space<vmem_shared>>
      tpu.enqueue_dma source(%dma_start3A_89 : memref<80x128xf32, #tpu.memory_space<vmem_shared>>) target(%arg10 : memref<80x128xf32, #tpu.memory_space<vmem>>) target_semaphore(%run_scoped3A : memref<!tpu.dma_semaphore, #tpu.memory_space<semaphore_mem>>)
      %dma_wait3A = arith.constant 0 : i32
      %dma_wait3A_90 = tpu.memref_slice %arg12[%add3A_64, %dma_wait3A] : memref<10240x128xf32, #tpu.memory_space<vmem_shared>> -> memref<80x128xf32, #tpu.memory_space<vmem_shared>>
      %dma_wait3A_91 = arith.constant 0 : i32
      %dma_wait3A_92 = tpu.memref_slice %arg12[%add3A_64, %dma_wait3A_91] : memref<10240x128xf32, #tpu.memory_space<vmem_shared>> -> memref<80x128xf32, #tpu.memory_space<vmem_shared>>
      tpu.wait_dma2 semaphore(%run_scoped3A : memref<!tpu.dma_semaphore, #tpu.memory_space<semaphore_mem>>) src(%dma_wait3A_92 : memref<80x128xf32, #tpu.memory_space<vmem_shared>>) dst(%arg10 : memref<80x128xf32, #tpu.memory_space<vmem>>)
      tpu.yield
    }) : () -> ()
    %mul3A_65 = arith.constant 10240 : i32
    %mul3A_66 = arith.muli %arg0, %mul3A_65 : i32
    %add3A_67 = arith.addi %mul3A_66, %mul3A_4 : i32
    %add3A_68 = arith.constant 400 : i32
    %add3A_69 = arith.addi %add3A_67, %add3A_68 : i32
    "tpu.region"() ({
      %run_scoped3A = tpu.sem_alloc : memref<!tpu.dma_semaphore, #tpu.memory_space<semaphore_mem>>
      %dma_start3A = arith.constant 0 : i32
      %dma_start3A_87 = tpu.memref_slice %arg6[%add3A_69, %dma_start3A] : memref<20480x128xf32, #tpu.memory_space<hbm>> -> memref<80x128xf32, #tpu.memory_space<hbm>>
      %dma_start3A_88 = arith.constant 0 : i32
      %dma_start3A_89 = tpu.memref_slice %arg6[%add3A_69, %dma_start3A_88] : memref<20480x128xf32, #tpu.memory_space<hbm>> -> memref<80x128xf32, #tpu.memory_space<hbm>>
      tpu.enqueue_dma source(%arg10 : memref<80x128xf32, #tpu.memory_space<vmem>>) target(%dma_start3A_89 : memref<80x128xf32, #tpu.memory_space<hbm>>) target_semaphore(%run_scoped3A : memref<!tpu.dma_semaphore, #tpu.memory_space<semaphore_mem>>)
      %dma_wait3A = arith.constant 0 : i32
      %dma_wait3A_90 = tpu.memref_slice %arg6[%add3A_69, %dma_wait3A] : memref<20480x128xf32, #tpu.memory_space<hbm>> -> memref<80x128xf32, #tpu.memory_space<hbm>>
      %dma_wait3A_91 = arith.constant 0 : i32
      %dma_wait3A_92 = tpu.memref_slice %arg6[%add3A_69, %dma_wait3A_91] : memref<20480x128xf32, #tpu.memory_space<hbm>> -> memref<80x128xf32, #tpu.memory_space<hbm>>
      tpu.wait_dma2 semaphore(%run_scoped3A : memref<!tpu.dma_semaphore, #tpu.memory_space<semaphore_mem>>) src(%arg10 : memref<80x128xf32, #tpu.memory_space<vmem>>) dst(%dma_wait3A_92 : memref<80x128xf32, #tpu.memory_space<hbm>>)
      tpu.yield
    }) : () -> ()
    %add3A_70 = arith.constant 480 : i32
    %add3A_71 = arith.addi %mul3A_4, %add3A_70 : i32
    "tpu.region"() ({
      %run_scoped3A = tpu.sem_alloc : memref<!tpu.dma_semaphore, #tpu.memory_space<semaphore_mem>>
      %dma_start3A = arith.constant 0 : i32
      %dma_start3A_87 = tpu.memref_slice %arg12[%add3A_71, %dma_start3A] : memref<10240x128xf32, #tpu.memory_space<vmem_shared>> -> memref<80x128xf32, #tpu.memory_space<vmem_shared>>
      %dma_start3A_88 = arith.constant 0 : i32
      %dma_start3A_89 = tpu.memref_slice %arg12[%add3A_71, %dma_start3A_88] : memref<10240x128xf32, #tpu.memory_space<vmem_shared>> -> memref<80x128xf32, #tpu.memory_space<vmem_shared>>
      tpu.enqueue_dma source(%dma_start3A_89 : memref<80x128xf32, #tpu.memory_space<vmem_shared>>) target(%arg10 : memref<80x128xf32, #tpu.memory_space<vmem>>) target_semaphore(%run_scoped3A : memref<!tpu.dma_semaphore, #tpu.memory_space<semaphore_mem>>)
      %dma_wait3A = arith.constant 0 : i32
      %dma_wait3A_90 = tpu.memref_slice %arg12[%add3A_71, %dma_wait3A] : memref<10240x128xf32, #tpu.memory_space<vmem_shared>> -> memref<80x128xf32, #tpu.memory_space<vmem_shared>>
      %dma_wait3A_91 = arith.constant 0 : i32
      %dma_wait3A_92 = tpu.memref_slice %arg12[%add3A_71, %dma_wait3A_91] : memref<10240x128xf32, #tpu.memory_space<vmem_shared>> -> memref<80x128xf32, #tpu.memory_space<vmem_shared>>
      tpu.wait_dma2 semaphore(%run_scoped3A : memref<!tpu.dma_semaphore, #tpu.memory_space<semaphore_mem>>) src(%dma_wait3A_92 : memref<80x128xf32, #tpu.memory_space<vmem_shared>>) dst(%arg10 : memref<80x128xf32, #tpu.memory_space<vmem>>)
      tpu.yield
    }) : () -> ()
    %mul3A_72 = arith.constant 10240 : i32
    %mul3A_73 = arith.muli %arg0, %mul3A_72 : i32
    %add3A_74 = arith.addi %mul3A_73, %mul3A_4 : i32
    %add3A_75 = arith.constant 480 : i32
    %add3A_76 = arith.addi %add3A_74, %add3A_75 : i32
    "tpu.region"() ({
      %run_scoped3A = tpu.sem_alloc : memref<!tpu.dma_semaphore, #tpu.memory_space<semaphore_mem>>
      %dma_start3A = arith.constant 0 : i32
      %dma_start3A_87 = tpu.memref_slice %arg6[%add3A_76, %dma_start3A] : memref<20480x128xf32, #tpu.memory_space<hbm>> -> memref<80x128xf32, #tpu.memory_space<hbm>>
      %dma_start3A_88 = arith.constant 0 : i32
      %dma_start3A_89 = tpu.memref_slice %arg6[%add3A_76, %dma_start3A_88] : memref<20480x128xf32, #tpu.memory_space<hbm>> -> memref<80x128xf32, #tpu.memory_space<hbm>>
      tpu.enqueue_dma source(%arg10 : memref<80x128xf32, #tpu.memory_space<vmem>>) target(%dma_start3A_89 : memref<80x128xf32, #tpu.memory_space<hbm>>) target_semaphore(%run_scoped3A : memref<!tpu.dma_semaphore, #tpu.memory_space<semaphore_mem>>)
      %dma_wait3A = arith.constant 0 : i32
      %dma_wait3A_90 = tpu.memref_slice %arg6[%add3A_76, %dma_wait3A] : memref<20480x128xf32, #tpu.memory_space<hbm>> -> memref<80x128xf32, #tpu.memory_space<hbm>>
      %dma_wait3A_91 = arith.constant 0 : i32
      %dma_wait3A_92 = tpu.memref_slice %arg6[%add3A_76, %dma_wait3A_91] : memref<20480x128xf32, #tpu.memory_space<hbm>> -> memref<80x128xf32, #tpu.memory_space<hbm>>
      tpu.wait_dma2 semaphore(%run_scoped3A : memref<!tpu.dma_semaphore, #tpu.memory_space<semaphore_mem>>) src(%arg10 : memref<80x128xf32, #tpu.memory_space<vmem>>) dst(%dma_wait3A_92 : memref<80x128xf32, #tpu.memory_space<hbm>>)
      tpu.yield
    }) : () -> ()
    %add3A_77 = arith.constant 560 : i32
    %add3A_78 = arith.addi %mul3A_4, %add3A_77 : i32
    "tpu.region"() ({
      %run_scoped3A = tpu.sem_alloc : memref<!tpu.dma_semaphore, #tpu.memory_space<semaphore_mem>>
      %dma_start3A = arith.constant 0 : i32
      %dma_start3A_87 = tpu.memref_slice %arg12[%add3A_78, %dma_start3A] : memref<10240x128xf32, #tpu.memory_space<vmem_shared>> -> memref<80x128xf32, #tpu.memory_space<vmem_shared>>
      %dma_start3A_88 = arith.constant 0 : i32
      %dma_start3A_89 = tpu.memref_slice %arg12[%add3A_78, %dma_start3A_88] : memref<10240x128xf32, #tpu.memory_space<vmem_shared>> -> memref<80x128xf32, #tpu.memory_space<vmem_shared>>
      tpu.enqueue_dma source(%dma_start3A_89 : memref<80x128xf32, #tpu.memory_space<vmem_shared>>) target(%arg10 : memref<80x128xf32, #tpu.memory_space<vmem>>) target_semaphore(%run_scoped3A : memref<!tpu.dma_semaphore, #tpu.memory_space<semaphore_mem>>)
      %dma_wait3A = arith.constant 0 : i32
      %dma_wait3A_90 = tpu.memref_slice %arg12[%add3A_78, %dma_wait3A] : memref<10240x128xf32, #tpu.memory_space<vmem_shared>> -> memref<80x128xf32, #tpu.memory_space<vmem_shared>>
      %dma_wait3A_91 = arith.constant 0 : i32
      %dma_wait3A_92 = tpu.memref_slice %arg12[%add3A_78, %dma_wait3A_91] : memref<10240x128xf32, #tpu.memory_space<vmem_shared>> -> memref<80x128xf32, #tpu.memory_space<vmem_shared>>
      tpu.wait_dma2 semaphore(%run_scoped3A : memref<!tpu.dma_semaphore, #tpu.memory_space<semaphore_mem>>) src(%dma_wait3A_92 : memref<80x128xf32, #tpu.memory_space<vmem_shared>>) dst(%arg10 : memref<80x128xf32, #tpu.memory_space<vmem>>)
      tpu.yield
    }) : () -> ()
    %mul3A_79 = arith.constant 10240 : i32
    %mul3A_80 = arith.muli %arg0, %mul3A_79 : i32
    %add3A_81 = arith.addi %mul3A_80, %mul3A_4 : i32
    %add3A_82 = arith.constant 560 : i32
    %add3A_83 = arith.addi %add3A_81, %add3A_82 : i32
    "tpu.region"() ({
      %run_scoped3A = tpu.sem_alloc : memref<!tpu.dma_semaphore, #tpu.memory_space<semaphore_mem>>
      %dma_start3A = arith.constant 0 : i32
      %dma_start3A_87 = tpu.memref_slice %arg6[%add3A_83, %dma_start3A] : memref<20480x128xf32, #tpu.memory_space<hbm>> -> memref<80x128xf32, #tpu.memory_space<hbm>>
      %dma_start3A_88 = arith.constant 0 : i32
      %dma_start3A_89 = tpu.memref_slice %arg6[%add3A_83, %dma_start3A_88] : memref<20480x128xf32, #tpu.memory_space<hbm>> -> memref<80x128xf32, #tpu.memory_space<hbm>>
      tpu.enqueue_dma source(%arg10 : memref<80x128xf32, #tpu.memory_space<vmem>>) target(%dma_start3A_89 : memref<80x128xf32, #tpu.memory_space<hbm>>) target_semaphore(%run_scoped3A : memref<!tpu.dma_semaphore, #tpu.memory_space<semaphore_mem>>)
      %dma_wait3A = arith.constant 0 : i32
      %dma_wait3A_90 = tpu.memref_slice %arg6[%add3A_83, %dma_wait3A] : memref<20480x128xf32, #tpu.memory_space<hbm>> -> memref<80x128xf32, #tpu.memory_space<hbm>>
      %dma_wait3A_91 = arith.constant 0 : i32
      %dma_wait3A_92 = tpu.memref_slice %arg6[%add3A_83, %dma_wait3A_91] : memref<20480x128xf32, #tpu.memory_space<hbm>> -> memref<80x128xf32, #tpu.memory_space<hbm>>
      tpu.wait_dma2 semaphore(%run_scoped3A : memref<!tpu.dma_semaphore, #tpu.memory_space<semaphore_mem>>) src(%arg10 : memref<80x128xf32, #tpu.memory_space<vmem>>) dst(%dma_wait3A_92 : memref<80x128xf32, #tpu.memory_space<hbm>>)
      tpu.yield
    }) : () -> ()
    "tpu.region"() ({
      %run_scoped3A = tpu.sem_alloc : memref<!tpu.dma_semaphore, #tpu.memory_space<semaphore_mem>>
      %dma_start3A = arith.constant 0 : i32
      %dma_start3A_87 = tpu.memref_slice %arg13[%mul3A_6, %dma_start3A] : memref<1280x128xf32, #tpu.memory_space<vmem_shared>> -> memref<80x128xf32, #tpu.memory_space<vmem_shared>>
      %dma_start3A_88 = arith.constant 0 : i32
      %dma_start3A_89 = tpu.memref_slice %arg13[%mul3A_6, %dma_start3A_88] : memref<1280x128xf32, #tpu.memory_space<vmem_shared>> -> memref<80x128xf32, #tpu.memory_space<vmem_shared>>
      tpu.enqueue_dma source(%dma_start3A_89 : memref<80x128xf32, #tpu.memory_space<vmem_shared>>) target(%arg11 : memref<80x128xf32, #tpu.memory_space<vmem>>) target_semaphore(%run_scoped3A : memref<!tpu.dma_semaphore, #tpu.memory_space<semaphore_mem>>)
      %dma_wait3A = arith.constant 0 : i32
      %dma_wait3A_90 = tpu.memref_slice %arg13[%mul3A_6, %dma_wait3A] : memref<1280x128xf32, #tpu.memory_space<vmem_shared>> -> memref<80x128xf32, #tpu.memory_space<vmem_shared>>
      %dma_wait3A_91 = arith.constant 0 : i32
      %dma_wait3A_92 = tpu.memref_slice %arg13[%mul3A_6, %dma_wait3A_91] : memref<1280x128xf32, #tpu.memory_space<vmem_shared>> -> memref<80x128xf32, #tpu.memory_space<vmem_shared>>
      tpu.wait_dma2 semaphore(%run_scoped3A : memref<!tpu.dma_semaphore, #tpu.memory_space<semaphore_mem>>) src(%dma_wait3A_92 : memref<80x128xf32, #tpu.memory_space<vmem_shared>>) dst(%arg11 : memref<80x128xf32, #tpu.memory_space<vmem>>)
      tpu.yield
    }) : () -> ()
    %mul3A_84 = arith.constant 1280 : i32
    %mul3A_85 = arith.muli %arg0, %mul3A_84 : i32
    %add3A_86 = arith.addi %mul3A_85, %mul3A_6 : i32
    "tpu.region"() ({
      %run_scoped3A = tpu.sem_alloc : memref<!tpu.dma_semaphore, #tpu.memory_space<semaphore_mem>>
      %dma_start3A = arith.constant 0 : i32
      %dma_start3A_87 = tpu.memref_slice %arg7[%add3A_86, %dma_start3A] : memref<2560x128xf32, #tpu.memory_space<hbm>> -> memref<80x128xf32, #tpu.memory_space<hbm>>
      %dma_start3A_88 = arith.constant 0 : i32
      %dma_start3A_89 = tpu.memref_slice %arg7[%add3A_86, %dma_start3A_88] : memref<2560x128xf32, #tpu.memory_space<hbm>> -> memref<80x128xf32, #tpu.memory_space<hbm>>
      tpu.enqueue_dma source(%arg11 : memref<80x128xf32, #tpu.memory_space<vmem>>) target(%dma_start3A_89 : memref<80x128xf32, #tpu.memory_space<hbm>>) target_semaphore(%run_scoped3A : memref<!tpu.dma_semaphore, #tpu.memory_space<semaphore_mem>>)
      %dma_wait3A = arith.constant 0 : i32
      %dma_wait3A_90 = tpu.memref_slice %arg7[%add3A_86, %dma_wait3A] : memref<2560x128xf32, #tpu.memory_space<hbm>> -> memref<80x128xf32, #tpu.memory_space<hbm>>
      %dma_wait3A_91 = arith.constant 0 : i32
      %dma_wait3A_92 = tpu.memref_slice %arg7[%add3A_86, %dma_wait3A_91] : memref<2560x128xf32, #tpu.memory_space<hbm>> -> memref<80x128xf32, #tpu.memory_space<hbm>>
      tpu.wait_dma2 semaphore(%run_scoped3A : memref<!tpu.dma_semaphore, #tpu.memory_space<semaphore_mem>>) src(%arg11 : memref<80x128xf32, #tpu.memory_space<vmem>>) dst(%dma_wait3A_92 : memref<80x128xf32, #tpu.memory_space<hbm>>)
      tpu.yield
    }) : () -> ()
    return
  }
}

module attributes {stable_mosaic.version = 14 : i64} {
  func.func @_proj_body(%arg0: i32, %arg1: memref<1000x128xf32, #tpu.memory_space<vmem>>, %arg2: memref<128x128xf32, #tpu.memory_space<vmem>>, %arg3: memref<1x128xf32, #tpu.memory_space<vmem>>, %arg4: memref<128x128xf32, #tpu.memory_space<vmem>>, %arg5: memref<1x128xf32, #tpu.memory_space<vmem>>, %arg6: memref<1000x128xf32, #tpu.memory_space<vmem>>, %arg7: memref<1000x128xf32, #tpu.memory_space<vmem>>) attributes {dimension_semantics = [#tpu.dimension_semantics<arbitrary>], iteration_bounds = array<i64: 10>, scalar_prefetch = 0 : i64, scratch_operands = 0 : i64, tpu.core_type = #tpu.core_type<tc>, window_params = [{transform_indices = @transform_0, window_bounds = array<i64: 1000, 128>}, {pipeline_mode = #tpu.pipeline_mode<synchronous>, transform_indices = @transform_1, window_bounds = array<i64: 128, 128>}, {pipeline_mode = #tpu.pipeline_mode<synchronous>, transform_indices = @transform_2, window_bounds = array<i64: 1, 128>}, {pipeline_mode = #tpu.pipeline_mode<synchronous>, transform_indices = @transform_3, window_bounds = array<i64: 128, 128>}, {pipeline_mode = #tpu.pipeline_mode<synchronous>, transform_indices = @transform_4, window_bounds = array<i64: 1, 128>}, {transform_indices = @transform_5, window_bounds = array<i64: 1000, 128>}, {transform_indices = @transform_6, window_bounds = array<i64: 1000, 128>}]} {
    %get3A = arith.constant 0 : index
    %get3A_0 = arith.constant 0 : index
    %get3A_1 = vector.load %arg1[%get3A, %get3A_0] : memref<1000x128xf32, #tpu.memory_space<vmem>>, vector<1000x128xf32>
    %get3A_2 = arith.constant 0 : index
    %get3A_3 = arith.constant 0 : index
    %get3A_4 = vector.load %arg2[%get3A_2, %get3A_3] : memref<128x128xf32, #tpu.memory_space<vmem>>, vector<128x128xf32>
    %dot_general3A = arith.constant dense<0.000000e+00> : vector<1000x128xf32>
    %dot_general3A_5 = tpu.matmul %get3A_1, %get3A_4, %dot_general3A {dimension_numbers = #tpu.dot_dimension_numbers<[1], [0], [0], [1], [0, 0, 1, 1], [], []>, transpose_lhs_hint = false} : vector<1000x128xf32>, vector<128x128xf32>, vector<1000x128xf32> -> vector<1000x128xf32>
    %get3A_6 = arith.constant 0 : index
    %get3A_7 = arith.constant 0 : index
    %get3A_8 = vector.load %arg3[%get3A_6, %get3A_7] : memref<1x128xf32, #tpu.memory_space<vmem>>, vector<1x128xf32>
    %add3A = vector.broadcast %get3A_8 : vector<1x128xf32> to vector<1000x128xf32>
    %add3A_9 = arith.addf %dot_general3A_5, %add3A : vector<1000x128xf32>
    %get3A_10 = arith.constant 0 : index
    %get3A_11 = arith.constant 0 : index
    %get3A_12 = vector.load %arg4[%get3A_10, %get3A_11] : memref<128x128xf32, #tpu.memory_space<vmem>>, vector<128x128xf32>
    %dot_general3A_13 = arith.constant dense<0.000000e+00> : vector<1000x128xf32>
    %dot_general3A_14 = tpu.matmul %get3A_1, %get3A_12, %dot_general3A_13 {dimension_numbers = #tpu.dot_dimension_numbers<[1], [0], [0], [1], [0, 0, 1, 1], [], []>, transpose_lhs_hint = false} : vector<1000x128xf32>, vector<128x128xf32>, vector<1000x128xf32> -> vector<1000x128xf32>
    %get3A_15 = arith.constant 0 : index
    %get3A_16 = arith.constant 0 : index
    %get3A_17 = vector.load %arg5[%get3A_15, %get3A_16] : memref<1x128xf32, #tpu.memory_space<vmem>>, vector<1x128xf32>
    %add3A_18 = vector.broadcast %get3A_17 : vector<1x128xf32> to vector<1000x128xf32>
    %add3A_19 = arith.addf %dot_general3A_14, %add3A_18 : vector<1000x128xf32>
    %swap3A = arith.constant 0 : index
    %swap3A_20 = arith.constant 0 : index
    %swap3A_21 = vector.load %arg6[%swap3A, %swap3A_20] : memref<1000x128xf32, #tpu.memory_space<vmem>>, vector<1000x128xf32>
    tpu.vector_store %arg6[%swap3A, %swap3A_20], %add3A_9 {strides = array<i32>} : memref<1000x128xf32, #tpu.memory_space<vmem>>, vector<1000x128xf32>,
    %swap3A_22 = arith.constant 0 : index
    %swap3A_23 = arith.constant 0 : index
    %swap3A_24 = vector.load %arg7[%swap3A_22, %swap3A_23] : memref<1000x128xf32, #tpu.memory_space<vmem>>, vector<1000x128xf32>
    tpu.vector_store %arg7[%swap3A_22, %swap3A_23], %add3A_19 {strides = array<i32>} : memref<1000x128xf32, #tpu.memory_space<vmem>>, vector<1000x128xf32>,
    return
  }
  func.func @transform_0(%arg0: i32) -> (i32, i32) {
    %c0_i32 = arith.constant 0 : i32
    %c0_i32_0 = arith.constant 0 : i32
    return %arg0, %c0_i32 : i32, i32
  }
  func.func @transform_1(%arg0: i32) -> (i32, i32) {
    %c0_i32 = arith.constant 0 : i32
    %c0_i32_0 = arith.constant 0 : i32
    %c0_i32_1 = arith.constant 0 : i32
    return %c0_i32, %c0_i32_0 : i32, i32
  }
  func.func @transform_2(%arg0: i32) -> (i32, i32) {
    %c0_i32 = arith.constant 0 : i32
    %c0_i32_0 = arith.constant 0 : i32
    %c0_i32_1 = arith.constant 0 : i32
    return %c0_i32, %c0_i32_0 : i32, i32
  }
  func.func @transform_3(%arg0: i32) -> (i32, i32) {
    %c0_i32 = arith.constant 0 : i32
    %c0_i32_0 = arith.constant 0 : i32
    %c0_i32_1 = arith.constant 0 : i32
    return %c0_i32, %c0_i32_0 : i32, i32
  }
  func.func @transform_4(%arg0: i32) -> (i32, i32) {
    %c0_i32 = arith.constant 0 : i32
    %c0_i32_0 = arith.constant 0 : i32
    %c0_i32_1 = arith.constant 0 : i32
    return %c0_i32, %c0_i32_0 : i32, i32
  }
  func.func @transform_5(%arg0: i32) -> (i32, i32) {
    %c0_i32 = arith.constant 0 : i32
    %c0_i32_0 = arith.constant 0 : i32
    return %arg0, %c0_i32 : i32, i32
  }
  func.func @transform_6(%arg0: i32) -> (i32, i32) {
    %c0_i32 = arith.constant 0 : i32
    %c0_i32_0 = arith.constant 0 : i32
    return %arg0, %c0_i32 : i32, i32
  }
}

module attributes {stable_mosaic.version = 14 : i64} {
  func.func @_final_body(%arg0: i32, %arg1: memref<2x1000x128xf32, #tpu.memory_space<vmem>>, %arg2: memref<2x1000x16xf32, #tpu.memory_space<vmem>>, %arg3: memref<1000x128xf32, #tpu.memory_space<vmem>>) attributes {dimension_semantics = [#tpu.dimension_semantics<arbitrary>], iteration_bounds = array<i64: 10>, scalar_prefetch = 0 : i64, scratch_operands = 0 : i64, tpu.core_type = #tpu.core_type<tc>, window_params = [{transform_indices = @transform_0, window_bounds = array<i64: 2, 1000, 128>}, {transform_indices = @transform_1, window_bounds = array<i64: 2, 1000, 16>}, {transform_indices = @transform_2, window_bounds = array<i64: 1000, 128>}]} {
    %get3A = arith.constant 0 : index
    %get3A_0 = arith.constant 0 : index
    %get3A_1 = arith.constant 0 : index
    %get3A_2 = vector.load %arg1[%get3A, %get3A_0, %get3A_1] : memref<2x1000x128xf32, #tpu.memory_space<vmem>>, vector<1x1000x128xf32>
    %get3A_3 = vector.shape_cast %get3A_2 : vector<1x1000x128xf32> to vector<1000x128xf32>
    %get3A_4 = arith.constant 1 : index
    %get3A_5 = arith.constant 0 : index
    %get3A_6 = arith.constant 0 : index
    %get3A_7 = vector.load %arg1[%get3A_4, %get3A_5, %get3A_6] : memref<2x1000x128xf32, #tpu.memory_space<vmem>>, vector<1x1000x128xf32>
    %get3A_8 = vector.shape_cast %get3A_7 : vector<1x1000x128xf32> to vector<1000x128xf32>
    %add3A = arith.addf %get3A_3, %get3A_8 : vector<1000x128xf32>
    %get3A_9 = arith.constant 0 : index
    %get3A_10 = arith.constant 0 : index
    %get3A_11 = arith.constant 0 : index
    %get3A_12 = vector.load %arg2[%get3A_9, %get3A_10, %get3A_11] : memref<2x1000x16xf32, #tpu.memory_space<vmem>>, vector<1x1000x16xf32>
    %get3A_13 = vector.shape_cast %get3A_12 : vector<1x1000x16xf32> to vector<1000x16xf32>
    %get3A_14 = arith.constant 1 : index
    %get3A_15 = arith.constant 0 : index
    %get3A_16 = arith.constant 0 : index
    %get3A_17 = vector.load %arg2[%get3A_14, %get3A_15, %get3A_16] : memref<2x1000x16xf32, #tpu.memory_space<vmem>>, vector<1x1000x16xf32>
    %get3A_18 = vector.shape_cast %get3A_17 : vector<1x1000x16xf32> to vector<1000x16xf32>
    %add3A_19 = arith.addf %get3A_13, %get3A_18 : vector<1000x16xf32>
    %slice3A = vector.extract_strided_slice %add3A_19 {offsets = [0, 0], sizes = [1000, 1], strides = [1, 1]} : vector<1000x16xf32> to vector<1000x1xf32>
    %ne3A = arith.constant 0.000000e+00 : f32
    %ne3A_20 = vector.broadcast %ne3A : f32 to vector<1000x1xf32>
    %ne3A_21 = arith.cmpf one, %slice3A, %ne3A_20 : vector<1000x1xf32>
    %jit3A = arith.constant 1.000000e+00 : f32
    %broadcast_in_dim3A = vector.broadcast %jit3A : f32 to vector<1000x1xf32>
    %select_n3A = arith.select %ne3A_21, %slice3A, %broadcast_in_dim3A : vector<1000x1xi1>, vector<1000x1xf32>
    %slice3A_22 = vector.extract_strided_slice %add3A {offsets = [0, 0], sizes = [1000, 32], strides = [1, 1]} : vector<1000x128xf32> to vector<1000x32xf32>
    %div3A = vector.broadcast %select_n3A : vector<1000x1xf32> to vector<1000x32xf32>
    %div3A_23 = arith.divf %slice3A_22, %div3A : vector<1000x32xf32>
    %swap3A = arith.constant 0 : index
    %swap3A_24 = arith.constant 0 : index
    %swap3A_25 = vector.load %arg3[%swap3A, %swap3A_24] : memref<1000x128xf32, #tpu.memory_space<vmem>>, vector<1000x32xf32>
    tpu.vector_store %arg3[%swap3A, %swap3A_24], %div3A_23 {strides = array<i32>} : memref<1000x128xf32, #tpu.memory_space<vmem>>, vector<1000x32xf32>,
    %slice3A_26 = vector.extract_strided_slice %add3A_19 {offsets = [0, 1], sizes = [1000, 1], strides = [1, 1]} : vector<1000x16xf32> to vector<1000x1xf32>
    %ne3A_27 = arith.constant 0.000000e+00 : f32
    %ne3A_28 = vector.broadcast %ne3A_27 : f32 to vector<1000x1xf32>
    %ne3A_29 = arith.cmpf one, %slice3A_26, %ne3A_28 : vector<1000x1xf32>
    %jit3A_30 = arith.constant 1.000000e+00 : f32
    %broadcast_in_dim3A_31 = vector.broadcast %jit3A_30 : f32 to vector<1000x1xf32>
    %select_n3A_32 = arith.select %ne3A_29, %slice3A_26, %broadcast_in_dim3A_31 : vector<1000x1xi1>, vector<1000x1xf32>
    %slice3A_33 = vector.extract_strided_slice %add3A {offsets = [0, 32], sizes = [1000, 32], strides = [1, 1]} : vector<1000x128xf32> to vector<1000x32xf32>
    %div3A_34 = vector.broadcast %select_n3A_32 : vector<1000x1xf32> to vector<1000x32xf32>
    %div3A_35 = arith.divf %slice3A_33, %div3A_34 : vector<1000x32xf32>
    %swap3A_36 = arith.constant 0 : index
    %swap3A_37 = arith.constant 32 : index
    %swap3A_38 = vector.load %arg3[%swap3A_36, %swap3A_37] : memref<1000x128xf32, #tpu.memory_space<vmem>>, vector<1000x32xf32>
    tpu.vector_store %arg3[%swap3A_36, %swap3A_37], %div3A_35 {strides = array<i32>} : memref<1000x128xf32, #tpu.memory_space<vmem>>, vector<1000x32xf32>,
    %slice3A_39 = vector.extract_strided_slice %add3A_19 {offsets = [0, 2], sizes = [1000, 1], strides = [1, 1]} : vector<1000x16xf32> to vector<1000x1xf32>
    %ne3A_40 = arith.constant 0.000000e+00 : f32
    %ne3A_41 = vector.broadcast %ne3A_40 : f32 to vector<1000x1xf32>
    %ne3A_42 = arith.cmpf one, %slice3A_39, %ne3A_41 : vector<1000x1xf32>
    %jit3A_43 = arith.constant 1.000000e+00 : f32
    %broadcast_in_dim3A_44 = vector.broadcast %jit3A_43 : f32 to vector<1000x1xf32>
    %select_n3A_45 = arith.select %ne3A_42, %slice3A_39, %broadcast_in_dim3A_44 : vector<1000x1xi1>, vector<1000x1xf32>
    %slice3A_46 = vector.extract_strided_slice %add3A {offsets = [0, 64], sizes = [1000, 32], strides = [1, 1]} : vector<1000x128xf32> to vector<1000x32xf32>
    %div3A_47 = vector.broadcast %select_n3A_45 : vector<1000x1xf32> to vector<1000x32xf32>
    %div3A_48 = arith.divf %slice3A_46, %div3A_47 : vector<1000x32xf32>
    %swap3A_49 = arith.constant 0 : index
    %swap3A_50 = arith.constant 64 : index
    %swap3A_51 = vector.load %arg3[%swap3A_49, %swap3A_50] : memref<1000x128xf32, #tpu.memory_space<vmem>>, vector<1000x32xf32>
    tpu.vector_store %arg3[%swap3A_49, %swap3A_50], %div3A_48 {strides = array<i32>} : memref<1000x128xf32, #tpu.memory_space<vmem>>, vector<1000x32xf32>,
    %slice3A_52 = vector.extract_strided_slice %add3A_19 {offsets = [0, 3], sizes = [1000, 1], strides = [1, 1]} : vector<1000x16xf32> to vector<1000x1xf32>
    %ne3A_53 = arith.constant 0.000000e+00 : f32
    %ne3A_54 = vector.broadcast %ne3A_53 : f32 to vector<1000x1xf32>
    %ne3A_55 = arith.cmpf one, %slice3A_52, %ne3A_54 : vector<1000x1xf32>
    %jit3A_56 = arith.constant 1.000000e+00 : f32
    %broadcast_in_dim3A_57 = vector.broadcast %jit3A_56 : f32 to vector<1000x1xf32>
    %select_n3A_58 = arith.select %ne3A_55, %slice3A_52, %broadcast_in_dim3A_57 : vector<1000x1xi1>, vector<1000x1xf32>
    %slice3A_59 = vector.extract_strided_slice %add3A {offsets = [0, 96], sizes = [1000, 32], strides = [1, 1]} : vector<1000x128xf32> to vector<1000x32xf32>
    %div3A_60 = vector.broadcast %select_n3A_58 : vector<1000x1xf32> to vector<1000x32xf32>
    %div3A_61 = arith.divf %slice3A_59, %div3A_60 : vector<1000x32xf32>
    %swap3A_62 = arith.constant 0 : index
    %swap3A_63 = arith.constant 96 : index
    %swap3A_64 = vector.load %arg3[%swap3A_62, %swap3A_63] : memref<1000x128xf32, #tpu.memory_space<vmem>>, vector<1000x32xf32>
    tpu.vector_store %arg3[%swap3A_62, %swap3A_63], %div3A_61 {strides = array<i32>} : memref<1000x128xf32, #tpu.memory_space<vmem>>, vector<1000x32xf32>,
    return
  }
  func.func @transform_0(%arg0: i32) -> (i32, i32, i32) {
    %c0_i32 = arith.constant 0 : i32
    %c0_i32_0 = arith.constant 0 : i32
    %c0_i32_1 = arith.constant 0 : i32
    return %c0_i32, %arg0, %c0_i32_0 : i32, i32, i32
  }
  func.func @transform_1(%arg0: i32) -> (i32, i32, i32) {
    %c0_i32 = arith.constant 0 : i32
    %c0_i32_0 = arith.constant 0 : i32
    %c0_i32_1 = arith.constant 0 : i32
    return %c0_i32, %arg0, %c0_i32_0 : i32, i32, i32
  }
  func.func @transform_2(%arg0: i32) -> (i32, i32) {
    %c0_i32 = arith.constant 0 : i32
    %c0_i32_0 = arith.constant 0 : i32
    return %arg0, %c0_i32 : i32, i32
  }
}

module attributes {stable_mosaic.version = 14 : i64} {
  func.func @_edge_body(%arg0: i32, %arg1: memref<2000x128xf32, #tpu.memory_space<vmem>>, %arg2: memref<2000x128xf32, #tpu.memory_space<vmem>>, %arg3: memref<2000x4xf32, #tpu.memory_space<vmem>>, %arg4: memref<2000x1xi32, #tpu.memory_space<vmem>>, %arg5: memref<4x128xf32, #tpu.memory_space<vmem>>, %arg6: memref<1x128xf32, #tpu.memory_space<vmem>>, %arg7: memref<128x128xf32, #tpu.memory_space<vmem>>, %arg8: memref<128x128xf32, #tpu.memory_space<vmem>>, %arg9: memref<2000x128xf32, #tpu.memory_space<vmem>>, %arg10: memref<2000x128xf32, #tpu.memory_space<vmem>>) attributes {dimension_semantics = [#tpu.dimension_semantics<arbitrary>], iteration_bounds = array<i64: 160>, scalar_prefetch = 0 : i64, scratch_operands = 0 : i64, tpu.core_type = #tpu.core_type<tc>, window_params = [{transform_indices = @transform_0, window_bounds = array<i64: 2000, 128>}, {transform_indices = @transform_1, window_bounds = array<i64: 2000, 128>}, {transform_indices = @transform_2, window_bounds = array<i64: 2000, 4>}, {transform_indices = @transform_3, window_bounds = array<i64: 2000, 1>}, {pipeline_mode = #tpu.pipeline_mode<synchronous>, transform_indices = @transform_4, window_bounds = array<i64: 4, 128>}, {pipeline_mode = #tpu.pipeline_mode<synchronous>, transform_indices = @transform_5, window_bounds = array<i64: 1, 128>}, {pipeline_mode = #tpu.pipeline_mode<synchronous>, transform_indices = @transform_6, window_bounds = array<i64: 128, 128>}, {pipeline_mode = #tpu.pipeline_mode<synchronous>, transform_indices = @transform_7, window_bounds = array<i64: 128, 128>}, {transform_indices = @transform_8, window_bounds = array<i64: 2000, 128>}, {transform_indices = @transform_9, window_bounds = array<i64: 2000, 128>}]} {
    %get3A = arith.constant 0 : index
    %get3A_0 = arith.constant 0 : index
    %get3A_1 = vector.load %arg1[%get3A, %get3A_0] : memref<2000x128xf32, #tpu.memory_space<vmem>>, vector<2000x128xf32>
    %get3A_2 = arith.constant 0 : index
    %get3A_3 = arith.constant 0 : index
    %get3A_4 = vector.load %arg3[%get3A_2, %get3A_3] : memref<2000x4xf32, #tpu.memory_space<vmem>>, vector<2000x4xf32>
    %get3A_5 = arith.constant 0 : index
    %get3A_6 = arith.constant 0 : index
    %get3A_7 = vector.load %arg5[%get3A_5, %get3A_6] : memref<4x128xf32, #tpu.memory_space<vmem>>, vector<4x128xf32>
    %dot_general3A = arith.constant dense<0.000000e+00> : vector<2000x128xf32>
    %dot_general3A_8 = tpu.matmul %get3A_4, %get3A_7, %dot_general3A {dimension_numbers = #tpu.dot_dimension_numbers<[1], [0], [0], [1], [0, 0, 1, 1], [], []>, transpose_lhs_hint = false} : vector<2000x4xf32>, vector<4x128xf32>, vector<2000x128xf32> -> vector<2000x128xf32>
    %get3A_9 = arith.constant 0 : index
    %get3A_10 = arith.constant 0 : index
    %get3A_11 = vector.load %arg6[%get3A_9, %get3A_10] : memref<1x128xf32, #tpu.memory_space<vmem>>, vector<1x128xf32>
    %add3A = vector.broadcast %get3A_11 : vector<1x128xf32> to vector<2000x128xf32>
    %add3A_12 = arith.addf %dot_general3A_8, %add3A : vector<2000x128xf32>
    %get3A_13 = arith.constant 0 : index
    %get3A_14 = arith.constant 0 : index
    %get3A_15 = vector.load %arg2[%get3A_13, %get3A_14] : memref<2000x128xf32, #tpu.memory_space<vmem>>, vector<2000x128xf32>
    %add3A_16 = arith.addf %get3A_1, %get3A_15 : vector<2000x128xf32>
    %add3A_17 = arith.addf %add3A_16, %add3A_12 : vector<2000x128xf32>
    %ge3A = arith.constant 0.000000e+00 : f32
    %ge3A_18 = vector.broadcast %ge3A : f32 to vector<2000x128xf32>
    %ge3A_19 = arith.cmpf oge, %add3A_17, %ge3A_18 : vector<2000x128xf32>
    %mul3A = arith.constant 0.00999999977 : f32
    %mul3A_20 = vector.broadcast %mul3A : f32 to vector<2000x128xf32>
    %mul3A_21 = arith.mulf %mul3A_20, %add3A_17 : vector<2000x128xf32>
    %select_n3A = arith.select %ge3A_19, %add3A_17, %mul3A_21 : vector<2000x128xi1>, vector<2000x128xf32>
    %get3A_22 = arith.constant 0 : index
    %get3A_23 = arith.constant 0 : index
    %get3A_24 = vector.load %arg7[%get3A_22, %get3A_23] : memref<128x128xf32, #tpu.memory_space<vmem>>, vector<128x128xf32>
    %dot_general3A_25 = arith.constant dense<0.000000e+00> : vector<2000x128xf32>
    %dot_general3A_26 = tpu.matmul %select_n3A, %get3A_24, %dot_general3A_25 {dimension_numbers = #tpu.dot_dimension_numbers<[1], [0], [0], [1], [0, 0, 1, 1], [], []>, transpose_lhs_hint = false} : vector<2000x128xf32>, vector<128x128xf32>, vector<2000x128xf32> -> vector<2000x128xf32>
    %exp3A = math.exp %dot_general3A_26 : vector<2000x128xf32>
    %mul3A_27 = arith.mulf %exp3A, %get3A_1 : vector<2000x128xf32>
    %swap3A = arith.constant 0 : index
    %swap3A_28 = arith.constant 0 : index
    %swap3A_29 = vector.load %arg9[%swap3A, %swap3A_28] : memref<2000x128xf32, #tpu.memory_space<vmem>>, vector<2000x128xf32>
    tpu.vector_store %arg9[%swap3A, %swap3A_28], %mul3A_27 {strides = array<i32>} : memref<2000x128xf32, #tpu.memory_space<vmem>>, vector<2000x128xf32>,
    %get3A_30 = arith.constant 0 : index
    %get3A_31 = arith.constant 0 : index
    %get3A_32 = vector.load %arg8[%get3A_30, %get3A_31] : memref<128x128xf32, #tpu.memory_space<vmem>>, vector<128x128xf32>
    %dot_general3A_33 = arith.constant dense<0.000000e+00> : vector<2000x128xf32>
    %dot_general3A_34 = tpu.matmul %select_n3A, %get3A_32, %dot_general3A_33 {dimension_numbers = #tpu.dot_dimension_numbers<[1], [0], [0], [1], [0, 0, 1, 1], [], []>, transpose_lhs_hint = false} : vector<2000x128xf32>, vector<128x128xf32>, vector<2000x128xf32> -> vector<2000x128xf32>
    %exp3A_35 = math.exp %dot_general3A_34 : vector<2000x128xf32>
    %iota3A = tpu.iota {dimensions = array<i32: 1>} : vector<2000x128xi32>
    %shift_right_arithmetic3A = arith.constant 4 : i32
    %shift_right_arithmetic3A_36 = vector.broadcast %shift_right_arithmetic3A : i32 to vector<2000x128xi32>
    %shift_right_arithmetic3A_37 = arith.shrsi %iota3A, %shift_right_arithmetic3A_36 : vector<2000x128xi32>
    %get3A_38 = arith.constant 0 : index
    %get3A_39 = arith.constant 0 : index
    %get3A_40 = vector.load %arg4[%get3A_38, %get3A_39] : memref<2000x1xi32, #tpu.memory_space<vmem>>, vector<2000x1xi32>
    %and3A = arith.constant 7 : i32
    %and3A_41 = vector.broadcast %and3A : i32 to vector<2000x1xi32>
    %and3A_42 = arith.andi %get3A_40, %and3A_41 : vector<2000x1xi32>
    %eq3A = vector.broadcast %and3A_42 : vector<2000x1xi32> to vector<2000x128xi32>
    %eq3A_43 = arith.cmpi eq, %shift_right_arithmetic3A_37, %eq3A : vector<2000x128xi32>
    %and3A_44 = arith.constant 15 : i32
    %and3A_45 = vector.broadcast %and3A_44 : i32 to vector<2000x128xi32>
    %and3A_46 = arith.andi %iota3A, %and3A_45 : vector<2000x128xi32>
    %lt3A = arith.constant 4 : i32
    %lt3A_47 = vector.broadcast %lt3A : i32 to vector<2000x128xi32>
    %lt3A_48 = arith.cmpi slt, %and3A_46, %lt3A_47 : vector<2000x128xi32>
    %and3A_49 = arith.andi %eq3A_43, %lt3A_48 : vector<2000x128xi1>
    %jit3A = arith.constant 0.000000e+00 : f32
    %broadcast_in_dim3A = vector.broadcast %jit3A : f32 to vector<2000x128xf32>
    %select_n3A_50 = arith.select %and3A_49, %exp3A_35, %broadcast_in_dim3A : vector<2000x128xi1>, vector<2000x128xf32>
    %swap3A_51 = arith.constant 0 : index
    %swap3A_52 = arith.constant 0 : index
    %swap3A_53 = vector.load %arg10[%swap3A_51, %swap3A_52] : memref<2000x128xf32, #tpu.memory_space<vmem>>, vector<2000x128xf32>
    tpu.vector_store %arg10[%swap3A_51, %swap3A_52], %select_n3A_50 {strides = array<i32>} : memref<2000x128xf32, #tpu.memory_space<vmem>>, vector<2000x128xf32>,
    return
  }
  func.func @transform_0(%arg0: i32) -> (i32, i32) {
    %c0_i32 = arith.constant 0 : i32
    %c0_i32_0 = arith.constant 0 : i32
    return %arg0, %c0_i32 : i32, i32
  }
  func.func @transform_1(%arg0: i32) -> (i32, i32) {
    %c0_i32 = arith.constant 0 : i32
    %c0_i32_0 = arith.constant 0 : i32
    return %arg0, %c0_i32 : i32, i32
  }
  func.func @transform_2(%arg0: i32) -> (i32, i32) {
    %c0_i32 = arith.constant 0 : i32
    %c0_i32_0 = arith.constant 0 : i32
    return %arg0, %c0_i32 : i32, i32
  }
  func.func @transform_3(%arg0: i32) -> (i32, i32) {
    %c0_i32 = arith.constant 0 : i32
    %c0_i32_0 = arith.constant 0 : i32
    return %arg0, %c0_i32 : i32, i32
  }
  func.func @transform_4(%arg0: i32) -> (i32, i32) {
    %c0_i32 = arith.constant 0 : i32
    %c0_i32_0 = arith.constant 0 : i32
    %c0_i32_1 = arith.constant 0 : i32
    return %c0_i32, %c0_i32_0 : i32, i32
  }
  func.func @transform_5(%arg0: i32) -> (i32, i32) {
    %c0_i32 = arith.constant 0 : i32
    %c0_i32_0 = arith.constant 0 : i32
    %c0_i32_1 = arith.constant 0 : i32
    return %c0_i32, %c0_i32_0 : i32, i32
  }
  func.func @transform_6(%arg0: i32) -> (i32, i32) {
    %c0_i32 = arith.constant 0 : i32
    %c0_i32_0 = arith.constant 0 : i32
    %c0_i32_1 = arith.constant 0 : i32
    return %c0_i32, %c0_i32_0 : i32, i32
  }
  func.func @transform_7(%arg0: i32) -> (i32, i32) {
    %c0_i32 = arith.constant 0 : i32
    %c0_i32_0 = arith.constant 0 : i32
    %c0_i32_1 = arith.constant 0 : i32
    return %c0_i32, %c0_i32_0 : i32, i32
  }
  func.func @transform_8(%arg0: i32) -> (i32, i32) {
    %c0_i32 = arith.constant 0 : i32
    %c0_i32_0 = arith.constant 0 : i32
    return %arg0, %c0_i32 : i32, i32
  }
  func.func @transform_9(%arg0: i32) -> (i32, i32) {
    %c0_i32 = arith.constant 0 : i32
    %c0_i32_0 = arith.constant 0 : i32
    return %arg0, %c0_i32 : i32, i32
  }
}

</mosaic_0001>

<sc_bundles>
// kernel: kernel.10.cloned.1.call-start
scs
__scs_entry_jumppad:
0x0: {  	(pc) =	sbr.rel $0x88, $3  }
0x1: {  	(tag) =	ssettag $0x0;
	lr =	simm.s32 $0x1  }
0x2: {  	[smem:$0x3F97] =	sst lr;
	_ =	strace $0xD0000000  }
0x3: {  	_ = 	snop  }
0x4: {  	_ = 	snop  }
0x5: {  	_ = 	snop  }
0x6: {  	_ = 	snop  }
0x7: {  	_ = 	snop  }
__scs_overlays_trampoline_lowered:
0x8: {  	[smem:$0x3FA6] =	sst s0  }
0x9: {  	[smem:$0x3FA7] =	sst s1  }
0xa: {  	[smem:$0x3FA8] =	sst s2  }
0xb: {  	[smem:$0x3FA9] =	sst s3  }
0xc: {  	[smem:$0x3FAA] =	sst s4  }
0xd: {  	[smem:$0x3FAB] =	sst s5  }
0xe: {  	[smem:$0x3FAC] =	sst s6  }
0xf: {  	[smem:$0x3FAD] =	sst s7  }
0x10: {  	[smem:$0x3FAE] =	sst s8  }
0x11: {  	[smem:$0x3FAF] =	sst s9;
	s0 =	simm.s32 @!p0 $0x0  }
0x12: {  	s1 =	sld [smem:$0x3F95];
	s0 =	simm.s32 @p0 $0x1  }
0x13: {  	[smem:$0x3FB0] =	sst s0;
	s0 =	simm.s32 @!p1 $0x0  }
0x14: {  	s2 =	sld [smem:$0x3F94];
	s0 =	simm.s32 @p1 $0x1  }
0x15: {  	[smem:$0x3FB1] =	sst s0;
	s0 =	simm.s32 @!p2 $0x0  }
0x16: {  	s3 =	sld [smem:$0x3FDB];
	s0 =	simm.s32 @p2 $0x1  }
0x17: {  	s4 =	simm.s32 $0x1BF5;
	[smem:$0x3FB3] =	sst s0  }
0x18: {  	s0 =	sld [smem:$0x3F96];
	_ =	swait.ge [sflag:s4], $0x0  }
0x19: {  	s7 =	sld [smem:$0x3F97]  }
0x1a: {  	s8 =	sadd.s32 $0xFFFFE003, lr  }
0x1b: {  	s9 =	sadd.s32 $0xFFFFFEF7, lr;
	s5 =	simm.s32 $0xFFFFFFFF;
	p2 =	slt.u32 s8, $0xFFFFF086  }
0x1c: {  	p1 =	slt.u32 s9, $0xF7A;
	s5 =	simm.s32 @!p2 $0x0  }
0x1d: {  	s5 =	simm.s32 @p1 $0x1;
	p0 =	seq.s32 s7, s2  }
0x1e: {  	s7 =	smul.u32 @!p0 $0xF7A, s2;
	p2 =	seq.s32 @!p0 s5, $0x0  }
0x1f: {  	s9 =	smul.u32 $0xF7A, s1;
	s8 =	simm.s32 @!p0 $0x1BF5;
	p2 =	por !p2, p0  }
0x20: {  	[sflag:s8] =	ssyncset.s32 @!p0 $0xFFFFF086;
	s6 =	sadd.s32 @!p0 s3, s7;
	s7 =	simm.s32 @!p0 $0x108  }
0x21: {  	s3 =	sadd.s32 s3, s9;
	s6 =	sadd.s32 @!p0 $0x88, s6;
	s7 =	simm.s32 @p2 $0x1082  }
0x22: {  	[simem:s7], [sflag:s8] =	dma.local @!p0 [hbm:s6], $0xF7A  }
0x23: {  	s9 =	sor.u32 $0xD0000000, s2;
	s6 =	simm.s32 $0x108;
	_ =	swait.ge @!p0 [sflag:s8], $0x0  }
0x24: {  	s3 =	sadd.s32 $0x88, s3;
	s6 =	simm.s32 @!p1 $0x1082;
	[sflag:s4] =	ssyncset.s32 $0xFFFFF086  }
0x25: {  	[simem:s6], [sflag:s4] =	dma.local [hbm:s3], $0xF7A  }
0x26: {  	[smem:$0x3F97] =	sst s1;
	(tag) =	ssettag s2;
	_ =	strace s9  }
0x27: {  	s1 =	sld [smem:$0x3FA7]  }
0x28: {  	s2 =	sld [smem:$0x3FA8]  }
0x29: {  	s4 =	sld [smem:$0x3FAA]  }
0x2a: {  	p0 =	seq.s32 s5, $0x0;
	s5 =	sld [smem:$0x3FAB]  }
0x2b: {  	s6 =	sld [smem:$0x3FAC]  }
0x2c: {  	s7 =	sld [smem:$0x3FAD]  }
0x2d: {  	s3 =	simm.s32 $0x108;
	s8 =	sld [smem:$0x3FAE]  }
0x2e: {  	s3 =	simm.s32 @!p0 $0x1082;
	s9 =	sld [smem:$0x3FAF]  }
0x2f: {  	lr =	sadd.s32 s0, s3;
	s0 =	sld [smem:$0x3FA6]  }
0x30: {  	s3 =	sld [smem:$0x3FA9]  }
0x31: {  	[smem:$0x3FB2] =	sst s10  }
0x32: {  	s10 =	sld [smem:$0x3FB0];
	_ =	sdelay $0x3  }
0x33: {  	p0 =	seq.s32 s10, $0x1;
	s10 =	sld [smem:$0x3FB2];
	_ =	sdelay $0x3  }
0x34: {  	[smem:$0x3FB2] =	sst s10  }
0x35: {  	s10 =	sld [smem:$0x3FB1];
	_ =	sdelay $0x3  }
0x36: {  	p1 =	seq.s32 s10, $0x1;
	s10 =	sld [smem:$0x3FB2];
	_ =	sdelay $0x3  }
0x37: {  	[smem:$0x3FB2] =	sst s10  }
0x38: {  	s10 =	sld [smem:$0x3FB3]  }
0x39: {  	_ = 	snop;
	(pc) =	sbr.ind lr, $3  }
0x3a: {  	_ = 	snop  }
0x3b: {  	_ = 	snop  }
0x3c: {  	p2 =	seq.s32 s10, $0x1;
	s10 =	sld [smem:$0x3FB2]  }
0x3d: {  	_ =	shalt  }
0x3e: {  	_ =	shalt  }
0x3f: {  	_ =	shalt  }
0x40: {  	_ =	shalt  }
0x41: {  	_ =	shalt  }
0x42: {  	_ =	shalt  }
0x43: {  	_ =	shalt  }
0x44: {  	_ =	shalt  }
0x45: {  	_ =	shalt  }
0x46: {  	_ =	shalt  }
0x47: {  	_ =	shalt  }
0x48: {  	_ =	shalt  }
0x49: {  	_ =	shalt  }
0x4a: {  	_ =	shalt  }
0x4b: {  	_ =	shalt  }
0x4c: {  	_ =	shalt  }
0x4d: {  	_ =	shalt  }
0x4e: {  	_ =	shalt  }
0x4f: {  	_ =	shalt  }
0x50: {  	_ =	shalt  }
0x51: {  	_ =	shalt  }
0x52: {  	_ =	shalt  }
0x53: {  	_ =	shalt  }
0x54: {  	_ =	shalt  }
0x55: {  	_ =	shalt  }
0x56: {  	_ =	shalt  }
0x57: {  	_ =	shalt  }
0x58: {  	_ =	shalt  }
0x59: {  	_ =	shalt  }
0x5a: {  	_ =	shalt  }
0x5b: {  	_ =	shalt  }
0x5c: {  	_ =	shalt  }
0x5d: {  	_ =	shalt  }
0x5e: {  	_ =	shalt  }
0x5f: {  	_ =	shalt  }
0x60: {  	_ =	shalt  }
0x61: {  	_ =	shalt  }
0x62: {  	_ =	shalt  }
0x63: {  	_ =	shalt  }
0x64: {  	_ =	shalt  }
0x65: {  	_ =	shalt  }
0x66: {  	_ =	shalt  }
0x67: {  	_ =	shalt  }
0x68: {  	_ =	shalt  }
0x69: {  	_ =	shalt  }
0x6a: {  	_ =	shalt  }
0x6b: {  	_ =	shalt  }
0x6c: {  	_ =	shalt  }
0x6d: {  	_ =	shalt  }
0x6e: {  	_ =	shalt  }
0x6f: {  	_ =	shalt  }
0x70: {  	_ =	shalt  }
0x71: {  	_ =	shalt  }
0x72: {  	_ =	shalt  }
0x73: {  	_ =	shalt  }
0x74: {  	_ =	shalt  }
0x75: {  	_ =	shalt  }
0x76: {  	_ =	shalt  }
0x77: {  	_ =	shalt  }
0x78: {  	_ =	shalt  }
0x79: {  	_ =	shalt  }
0x7a: {  	_ =	shalt  }
0x7b: {  	_ =	shalt  }
0x7c: {  	_ =	shalt  }
0x7d: {  	_ =	shalt  }
0x7e: {  	_ =	shalt  }
0x7f: {  	_ =	shalt  }
0x80: {  	_ =	shalt  }
0x81: {  	_ =	shalt  }
0x82: {  	_ =	shalt  }
0x83: {  	_ =	shalt  }
0x84: {  	_ =	shalt  }
0x85: {  	_ =	shalt  }
0x86: {  	_ =	shalt  }
0x87: {  	_ =	shalt  }
.Lfunc_end0:
.L_simem_size_0:
called_computation.1_lowered:
.L_overlay_start_0:
0x88: {  	s2 =	sld [smem:$0x3FD9]  }
0x89: {  	s3 =	sld [smem:$0x3FFE];
	_ =	sdelay $0x1  }
0x8a: {  	s1 =	srdreg.scid  }
0x8b: {  	s0 =	sand.u32 $0x1, s1  }
0x8c: {  	s17 =	sshll.u32 s0, $0xA;
	s2 =	sadd.s32 s3, s2  }
0x8d: {  	s2 =	sadd.s32 s2, s17  }
0x8e: {  	[smem:$0x3FBE] =	sst s2  }
0x8f: {  	_ = 	snop  }
0x90: {  	s2 =	sld [smem:$0x3FD0];
	(tm) =	ssettm $0x1  }
0x91: {  	s18 =	sld [smem:$0x3FFB];
	_ =	sdelay $0x3  }
0x92: {  	_ =	strace s18  }
0x93: {  	s3 =	sld [smem:$0x3FFC];
	_ =	sdelay $0x3  }
0x94: {  	_ =	strace s3  }
0x95: {  	s3 =	sld [smem:$0x3FFD];
	_ =	sdelay $0x3  }
0x96: {  	_ =	strace s3  }
0x97: {  	_ =	strace $0x8FFFFFFF  }
0x98: {  	s19 =	sld [smem:$0x3FDB];
	_ =	sdelay $0x1  }
0x99: {  	s4 =	simm.s32 $_scs_section_size  }
0x9a: {  	s5 =	simm.s32 $_size__tile_overlayer_lowered;
	s6 =	simm.s32 $_tile_overlayer_lowered  }
0x9b: {  	s22 =	simm.s32 $0x1BFF;
	s21 =	sshll.u32 s6, $0x1;
	s3 =	sadd.s32 s4, s19  }
0x9c: {  	s7 =	simm.s32 $0x0;
	s20 =	sshll.u32 s5, $0x1;
	s5 =	sadd.s32 s21, s3  }
0x9d: {  	[timem:s7], [sflag:s22] =	dma.local [hbm:s5], s20  }
0x9e: {  	_ =	swait.ge [sflag:s22], s20  }
0x9f: {  	s4 =	ssub.s32 $0x0, s20;
	[sflag:s22] =	ssyncset.done $0x0  }
0xa0: {  	[sflag:s22] =	ssyncadd.s32 s4;
	_ =	sdelay $0x1  }
0xa1: {  	s23 =	simm.s32 $0x1B8B  }
0xa2: {  	_ =	swait.ge [sflag:s23], $0x1  }
0xa3: {  	[sflag:s23] =	ssyncset.done $0x0  }
0xa4: {  	s25 =	simm.s32 $0x1B8E;
	s24 =	sld [smem:$0x3FFE];
	[sflag:s23] =	ssyncadd.s32 $0xFFFFFFFF  }
0xa5: {  	s26 =	simm.s32 $execute0_lowered;
	[smem:$0x3FD2] =	sst s25  }
0xa6: {  	s5 =	sshll.u32 s26, $0x1;
	_ =	strace $0x80000049;
	[dreg:$0x1] =	wrdreg $0xFFFFFFFF  }
0xa7: {  	s28 =	simm.s32 $_size_execute0_lowered;
	s3 =	sadd.s32 s3, s5;
	[dreg:$0x0] =	wrdreg $0x0  }
0xa8: {  	s5 =	sshll.u32 s28, $0x1;
	[dreg:$0x2] =	wrdreg s3  }
0xa9: {  	[dreg:$0x3] =	wrdreg s5  }
0xaa: {  	[dreg:$0x4] =	wrdreg $0xC0  }
0xab: {  	_ =	task [dreg:s7], $0x5FFFF  }
0xac: {  	[dreg:$0x1] =	wrdreg $0xFFFFFFFF  }
0xad: {  	[dreg:$0x0] =	wrdreg $0x60  }
0xae: {  	[dreg:$0x2] =	wrdreg s24  }
0xaf: {  	[dreg:$0x3] =	wrdreg s2  }
0xb0: {  	[dreg:$0x4] =	wrdreg $0x51000  }
0xb1: {  	[dreg:$0x5] =	wrdreg $0x191000  }
0xb2: {  	[dreg:$0x6] =	wrdreg $0x9  }
0xb3: {  	_ =	task.clear_ibuf [dreg:s7], $0x7FFFF;
	_ =	strace $0x90000049  }
0xb4: {  	s29 =	simm.s32 $0x9;
	_ =	strace $0x8000004B  }
0xb5: {  	_ =	swait.ge [sflag:s29], $0x1  }
0xb6: {  	[sflag:s29] =	ssyncadd.s32 $0xFFFFFFFF  }
0xb7: {  	_ =	strace $0x9000004B  }
0xb8: {  	_ =	sfence  }
0xb9: {  	s30 =	sld [smem:$0x0];
	_ =	sdelay $0x2  }
0xba: {  	s31 =	sshll.u32 s1, $0xD;
	s1 =	sshrl.u32 s1, $0x2  }
0xbb: {  	s3 =	sand.u32 $0x4000, s31;
	s1 =	sadd.s32 s1, s30  }
0xbc: {  	s0 =	sor.u32 s3, s0;
	s1 =	sshll.u32 s1, $0x11  }
0xbd: {  	s0 =	sor.u32 s1, s0  }
0xbe: {  	s0 =	sadd.s32 $0x8F2B, s0  }
0xbf: {  	[sflag:s0] =	ssyncadd.remote.s32 $0x1  }
0xc0: {  	_ =	sfence.sel $0xFFFF  }
0xc1: {  	[dreg:$0x0] =	wrdreg $0xFFFFFFFF;
	(pc) =	sbr.abs _section_cstart, $3  }
0xc2: {  	[dreg:$0x1] =	wrdreg $0xFFFFFFFF  }
0xc3: {  	_ =	task.clear_ibuf [dreg:s7], $0x2FFFF;
	_ =	strace $0x9FFFFFFF  }
0xc4: {  	(tm) =	ssettm $0x7FFFFFFF  }
0xc5: {  	_ =	shalt  }
tec
execute0_lowered:
.L_overlay_start_1:
0x0: {  	(tag) =	ssettag $0x1  }
0x1: {  	s0 =	rddreg [dreg:$0x0];
	s11 =	stileid.u32  }
0x2: {  	s1 =	rddreg [dreg:$0x1];
	s5 =	smul.u32 $0x4E200, s11  }
0x3: {  	s3 =	srdreg.scid;
	s6 =	smul.u32 $0x4E20, s11  }
0x4: {  	s2 =	rddreg [dreg:$0x2];
	s4 =	simm.s32 $0x0;
	s8 =	smul.u32 $0x280, s11  }
0x5: {  	s29 =	simm.s32 $0x100;
	s30 =	simm.s32 $0x3;
	s16 =	smul.u32 $0x50000, s11  }
0x6: {  	s13 =	sand.u32 $0x1, s3;
	s3 =	rddreg [dreg:$0x3];
	s10 =	smul.u32 $0xA000, s11  }
0x7: {  	s31 =	simm.s32 $0x2900;
	[smem:$0x7FF] =	sst s4;
	s7 =	smul.u32 $0x2710, s13  }
0x8: {  	s17 =	sadd.s32 $0x2E00, s0;
	s9 =	smul.u32 $0x2800, s13;
	_ =	strace $0x8000004A  }
0x9: {  	[dreg:$0x5] =	wrdreg s17;
	s19 =	ssub.s32 $0x2, s13;
	s5 =	sadd.s32 s5, s0  }
0xa: {  	s20 =	sshrl.u32 s16, $0x2;
	s21 =	sshrl.u32 s19, $0x1;
	s16 =	smul.u32 $0x500, s11  }
0xb: {  	s12 =	sshrl.u32 s10, $0x2;
	s6 =	sadd.s32 s7, s6;
	s15 =	sadd.s32 s8, s9  }
0xc: {  	s12 =	sadd.s32 s12, s3;
	s6 =	sshrl.u32 s6, $0x3;
	s18 =	sshll.u32 s15, $0x4  }
0xd: {  	s14 =	sadd.s32 s6, s0;
	s0 =	sadd.s32 s18, s0;
	s18 =	smul.u32 $0x5000, s13  }
0xe: {  	s15 =	ssub.s32 s19, s21;
	s6 =	sadd.s32 s20, s2;
	s13 =	smul.u32 $0x27100, s13  }
0xf: {  	s7 =	sadd.s32 $0x2800, s6;
	s8 =	sadd.s32 $0x5000, s6;
	s9 =	sadd.s32 $0x7800, s6  }
0x10: {  	s10 =	sadd.s32 $0xA000, s6;
	s11 =	sadd.s32 $0xC800, s6;
	s17 =	sadd.s32 $0x16A00, s0  }
0x11: {  	s22 =	sadd.s32 $0x16F00, s0;
	s23 =	sadd.s32 $0x17400, s0;
	[dreg:$0x6] =	wrdreg s17  }
0x12: {  	s24 =	sadd.s32 $0x17900, s0;
	s25 =	sadd.s32 $0x17E00, s0;
	[dreg:$0x7] =	wrdreg s22  }
0x13: {  	s26 =	sadd.s32 $0x18300, s0;
	s19 =	sadd.s32 $0x18800, s0;
	[dreg:$0x8] =	wrdreg s23  }
0x14: {  	s20 =	sadd.s32 $0x18D00, s0;
	s28 =	sadd.s32 $0x11800, s6;
	[dreg:$0x9] =	wrdreg s24  }
0x15: {  	s0 =	simm.s32 $0x2;
	[dreg:$0xa] =	wrdreg s25;
	s16 =	sadd.s32 s16, s18  }
0x16: {  	[dreg:$0xb] =	wrdreg s26;
	s5 =	sadd.s32 s13, s5;
	s22 =	smax.u32 s15, $0x1  }
0x17: {  	s26 =	sadd.s32 $0xF000, s6;
	s13 =	simm.s32 $0x80;
	s23 =	sadd.s32 $0x13C5C00, s5  }
0x18: {  	s21 =	sadd.s32 s1, s16;
	s24 =	sadd.s32 $0x18A7C00, s5;
	s16 =	sadd.s32 $0xCC00, s14  }
0x19: {  	s1 =	simm.s32 $0x1;
	s5 =	simm.s32 $0x50;
	s14 =	simm.s32 $0x0  }
.LBB2_1:
0x1a: {  	s15 =	rddreg [dreg:$0x5]  }
0x1b: {  	[tilespmem:s29], [sflag:$0x3] =	stream.linear.gather [hbm4b:s15+s4], $0x2800, $0x38;
	[tilespmem:$0x1B900] =	vst v63  }
0x1c: {  	_ =	swait.ge [sflag:s30], $0x2800  }
0x1d: {  	[sflag:s30] =	ssyncset.done $0x0  }
0x1e: {  	[sflag:s30] =	ssyncadd.s32 $0xFFFFD800  }
0x1f: {  	[spmem:s6] =	stream.linear.scatter [tilespmem:s29], [sflag:$0x3], $0x2800, $0x38;
	[tilespmem:$0x1B900] =	vst v63  }
0x20: {  	_ =	swait.ge [sflag:s30], $0x2800  }
0x21: {  	[sflag:s30] =	ssyncset.done $0x0  }
0x22: {  	[sflag:s30] =	ssyncadd.s32 $0xFFFFD800  }
0x23: {  	[spmem:s7] =	stream.linear.scatter [tilespmem:s29], [sflag:$0x3], $0x2800, $0x38;
	[tilespmem:$0x1B900] =	vst v63  }
0x24: {  	_ =	swait.ge [sflag:s30], $0x2800  }
0x25: {  	[sflag:s30] =	ssyncset.done $0x0  }
0x26: {  	[sflag:s30] =	ssyncadd.s32 $0xFFFFD800  }
0x27: {  	[spmem:s8] =	stream.linear.scatter [tilespmem:s29], [sflag:$0x3], $0x2800, $0x38;
	[tilespmem:$0x1B900] =	vst v63  }
0x28: {  	_ =	swait.ge [sflag:s30], $0x2800  }
0x29: {  	[sflag:s30] =	ssyncset.done $0x0  }
0x2a: {  	[sflag:s30] =	ssyncadd.s32 $0xFFFFD800  }
0x2b: {  	[spmem:s9] =	stream.linear.scatter [tilespmem:s29], [sflag:$0x3], $0x2800, $0x38;
	[tilespmem:$0x1B900] =	vst v63  }
0x2c: {  	_ =	swait.ge [sflag:s30], $0x2800  }
0x2d: {  	[sflag:s30] =	ssyncset.done $0x0  }
0x2e: {  	[sflag:s30] =	ssyncadd.s32 $0xFFFFD800  }
0x2f: {  	[spmem:s10] =	stream.linear.scatter [tilespmem:s29], [sflag:$0x3], $0x2800, $0x38;
	[tilespmem:$0x1B900] =	vst v63  }
0x30: {  	_ =	swait.ge [sflag:s30], $0x2800  }
0x31: {  	[sflag:s30] =	ssyncset.done $0x0  }
0x32: {  	[sflag:s30] =	ssyncadd.s32 $0xFFFFD800  }
0x33: {  	[spmem:s11] =	stream.linear.scatter [tilespmem:s29], [sflag:$0x3], $0x2800, $0x38;
	[tilespmem:$0x1B900] =	vst v63  }
0x34: {  	_ =	swait.ge [sflag:s30], $0x2800  }
0x35: {  	[sflag:s30] =	ssyncset.done $0x0  }
0x36: {  	[sflag:s30] =	ssyncadd.s32 $0xFFFFD800  }
0x37: {  	[spmem:s26] =	stream.linear.scatter [tilespmem:s29], [sflag:$0x3], $0x2800, $0x38;
	[tilespmem:$0x1B900] =	vst v63  }
0x38: {  	_ =	swait.ge [sflag:s30], $0x2800  }
0x39: {  	[sflag:s30] =	ssyncset.done $0x0  }
0x3a: {  	[sflag:s30] =	ssyncadd.s32 $0xFFFFD800  }
0x3b: {  	[spmem:s28] =	stream.linear.scatter [tilespmem:s29], [sflag:$0x3], $0x2800, $0x38;
	[tilespmem:$0x1B900] =	vst v63  }
0x3c: {  	_ =	swait.ge [sflag:s30], $0x2800  }
0x3d: {  	[sflag:s30] =	ssyncset.done $0x0  }
0x3e: {  	[sflag:s30] =	ssyncadd.s32 $0xFFFFD800  }
0x3f: {  	[spmem:s12] =	stream.linear.scatter [tilespmem:s29], [sflag:$0x3], $0x2800, $0x38;
	[tilespmem:$0x1B900] =	vst v63  }
0x40: {  	_ =	swait.ge [sflag:s30], $0x2800  }
0x41: {  	[sflag:s30] =	ssyncset.done $0x0  }
0x42: {  	[sflag:s30] =	ssyncadd.s32 $0xFFFFD800  }
0x43: {  	[bflag:$0x0] =	sbarrier.arrive $0xFFFF  }
0x44: {  	[tilespmem:s4], [sflag:$0x3] =	stream.linear.gather [hbm4b:s16+s4], $0x50, $0x38;
	[tilespmem:$0x1B900] =	vst v63  }
0x45: {  	_ =	swait.ge [sflag:s30], $0x50  }
0x46: {  	[sflag:s30] =	ssyncset.done $0x0  }
0x47: {  	[sflag:s30] =	ssyncadd.s32 $0xFFFFFFB0  }
0x48: {  	v0 =	vld [tilespmem:$0x40]  }
0x49: {  	v1 =	vld [tilespmem:$0x20]  }
0x4a: {  	v2 =	vld [tilespmem:$0x30]  }
0x4b: {  	v3 =	vld [tilespmem:$0x10]  }
0x4c: {  	v4 =	vld [tilespmem:$0x0]  }
0x4d: {  	v0 =	vshrl.u32 v0, $0x3  }
0x4e: {  	v1 =	vshrl.u32 v1, $0x3;
	[tilespmem:$0xC0] =	vst v0  }
0x4f: {  	v61 =	vshrl.u32 v2, $0x3;
	[tilespmem:$0xA0] =	vst v1  }
0x50: {  	v62 =	vshrl.u32 v3, $0x3;
	[tilespmem:$0xB0] =	vst v61  }
0x51: {  	v63 =	vshrl.u32 v4, $0x3;
	[tilespmem:$0x90] =	vst v62  }
0x52: {  	s18 =	sadd.s32 $0x0, s23;
	[tilespmem:$0x80] =	vst v63  }
0x53: {  	[tilespmem:s29], [sflag:$0x1] =	stream.linear.gather [hbm4b:s18+s4], $0x2800, $0x38;
	[tilespmem:$0x1B900] =	vst v63  }
0x54: {  	s25 =	sadd.s32 $0x0, s24  }
0x55: {  	[tilespmem:s31], [sflag:$0x2] =	stream.linear.gather [hbm4b:s25+s4], $0x2800, $0x38;
	[tilespmem:$0x1B900] =	vst v63  }
0x56: {  	_ =	swait.ge [sflag:s1], $0x2800  }
0x57: {  	[sflag:s1] =	ssyncset.done $0x0  }
0x58: {  	[sflag:s1] =	ssyncadd.s32 $0xFFFFD800  }
0x59: {  	_ =	swait.ge [sflag:s0], $0x2800  }
0x5a: {  	[sflag:s0] =	ssyncset.done $0x0  }
0x5b: {  	[sflag:s0] =	ssyncadd.s32 $0xFFFFD800  }
0x5c: {  	[spmem:s2] =	stream.indirect.scatter.add.f32 [tilespmem:s29], [sflag:$0x3], $0x80, s4, s5, $0xb8;
	[tilespmem:$0x1B900] =	vst v63  }
0x5d: {  	_ =	swait.ge [sflag:s30], $0x2800  }
0x5e: {  	s15 =	simm.s32 $0x500;
	s25 =	smov.u32 s16;
	[sflag:s30] =	ssyncset.done $0x0  }
.LBB2_2:
0x5f: {  	p0 =	sne.s32 s15, $0x26C00;
	[sflag:s30] =	ssyncadd.s32 $0xFFFFD800;
	s25 =	sadd.s32 $0xA, s25  }
0x60: {  	[spmem:s3] =	stream.indirect.scatter.add.f32 [tilespmem:s31], [sflag:$0x3], $0x80, s13, s5, $0xb8;
	[tilespmem:$0x1B900] =	vst v63  }
0x61: {  	s17 =	smov.u32 s15;
	s15 =	sadd.s32 $0x500, s15;
	_ =	swait.ge [sflag:s30], $0x2800  }
0x62: {  	[sflag:s30] =	ssyncset.done $0x0  }
0x63: {  	[sflag:s30] =	ssyncadd.s32 $0xFFFFD800  }
0x64: {  	[tilespmem:s4], [sflag:$0x3] =	stream.linear.gather [hbm4b:s25+s4], $0x50, $0x38;
	[tilespmem:$0x1B900] =	vst v63  }
0x65: {  	_ =	swait.ge [sflag:s30], $0x50  }
0x66: {  	[sflag:s30] =	ssyncset.done $0x0  }
0x67: {  	[sflag:s30] =	ssyncadd.s32 $0xFFFFFFB0  }
0x68: {  	v0 =	vld [tilespmem:$0x40]  }
0x69: {  	v1 =	vld [tilespmem:$0x20]  }
0x6a: {  	v2 =	vld [tilespmem:$0x30]  }
0x6b: {  	v3 =	vld [tilespmem:$0x10]  }
0x6c: {  	v4 =	vld [tilespmem:$0x0]  }
0x6d: {  	v0 =	vshrl.u32 v0, $0x3  }
0x6e: {  	v1 =	vshrl.u32 v1, $0x3;
	[tilespmem:$0xC0] =	vst v0  }
0x6f: {  	[tilespmem:$0xA0] =	vst v1;
	v0 =	vshrl.u32 v2, $0x3  }
0x70: {  	v1 =	vshrl.u32 v3, $0x3;
	[tilespmem:$0xB0] =	vst v0  }
0x71: {  	v0 =	vshrl.u32 v4, $0x3;
	[tilespmem:$0x90] =	vst v1  }
0x72: {  	s18 =	sadd.s32 s17, s23;
	[tilespmem:$0x80] =	vst v0  }
0x73: {  	[tilespmem:s29], [sflag:$0x1] =	stream.linear.gather [hbm4b:s18+s4], $0x2800, $0x38;
	[tilespmem:$0x1B900] =	vst v63  }
0x74: {  	s17 =	sadd.s32 s17, s24  }
0x75: {  	[tilespmem:s31], [sflag:$0x2] =	stream.linear.gather [hbm4b:s17+s4], $0x2800, $0x38;
	[tilespmem:$0x1B900] =	vst v63  }
0x76: {  	_ =	swait.ge [sflag:s1], $0x2800  }
0x77: {  	[sflag:s1] =	ssyncset.done $0x0  }
0x78: {  	[sflag:s1] =	ssyncadd.s32 $0xFFFFD800  }
0x79: {  	_ =	swait.ge [sflag:s0], $0x2800  }
.Ltmp0:
0x7a: {  	[sflag:s0] =	ssyncset.done $0x0;
	(pc) =	sbr.rel @p0 .LBB2_2-.Ltmp0, $4  }
0x7b: {  	[sflag:s0] =	ssyncadd.s32 $0xFFFFD800  }
0x7c: {  	[spmem:s2] =	stream.indirect.scatter.add.f32 [tilespmem:s29], [sflag:$0x3], $0x80, s4, s5, $0xb8;
	[tilespmem:$0x1B900] =	vst v63  }
0x7d: {  	_ =	swait.ge [sflag:s30], $0x2800  }
0x7e: {  	[sflag:s30] =	ssyncset.done $0x0  }
0x7f: {  	[sflag:s30] =	ssyncadd.s32 $0xFFFFD800  }
0x80: {  	[spmem:s3] =	stream.indirect.scatter.add.f32 [tilespmem:s31], [sflag:$0x3], $0x80, s13, s5, $0xb8;
	[tilespmem:$0x1B900] =	vst v63  }
0x81: {  	_ =	swait.ge [sflag:s30], $0x2800  }
0x82: {  	[sflag:s30] =	ssyncset.done $0x0  }
0x83: {  	[sflag:s30] =	ssyncadd.s32 $0xFFFFD800  }
0x84: {  	[bflag:$0x0] =	sbarrier.arrive $0xFFFF  }
0x85: {  	[tilespmem:s29], [sflag:$0x3] =	stream.linear.gather [spmem:s6], $0x2800, $0x38;
	[tilespmem:$0x1B900] =	vst v63  }
0x86: {  	_ =	swait.ge [sflag:s30], $0x2800  }
0x87: {  	[sflag:s30] =	ssyncset.done $0x0  }
0x88: {  	s15 =	rddreg [dreg:$0x6];
	[sflag:s30] =	ssyncadd.s32 $0xFFFFD800  }
0x89: {  	[hbm4b:s15+s4] =	stream.linear.scatter [tilespmem:s29], [sflag:$0x3], $0x2800, $0x38;
	[tilespmem:$0x1B900] =	vst v63  }
0x8a: {  	_ =	swait.ge [sflag:s30], $0x2800  }
0x8b: {  	[sflag:s30] =	ssyncset.done $0x0  }
0x8c: {  	[sflag:s30] =	ssyncadd.s32 $0xFFFFD800  }
0x8d: {  	[tilespmem:s29], [sflag:$0x3] =	stream.linear.gather [spmem:s7], $0x2800, $0x38;
	[tilespmem:$0x1B900] =	vst v63  }
0x8e: {  	_ =	swait.ge [sflag:s30], $0x2800  }
0x8f: {  	[sflag:s30] =	ssyncset.done $0x0  }
0x90: {  	s18 =	rddreg [dreg:$0x7];
	[sflag:s30] =	ssyncadd.s32 $0xFFFFD800  }
0x91: {  	[hbm4b:s18+s4] =	stream.linear.scatter [tilespmem:s29], [sflag:$0x3], $0x2800, $0x38;
	[tilespmem:$0x1B900] =	vst v63  }
0x92: {  	_ =	swait.ge [sflag:s30], $0x2800  }
0x93: {  	[sflag:s30] =	ssyncset.done $0x0  }
0x94: {  	[sflag:s30] =	ssyncadd.s32 $0xFFFFD800  }
0x95: {  	[tilespmem:s29], [sflag:$0x3] =	stream.linear.gather [spmem:s8], $0x2800, $0x38;
	[tilespmem:$0x1B900] =	vst v63  }
0x96: {  	_ =	swait.ge [sflag:s30], $0x2800  }
0x97: {  	[sflag:s30] =	ssyncset.done $0x0  }
0x98: {  	s25 =	rddreg [dreg:$0x8];
	[sflag:s30] =	ssyncadd.s32 $0xFFFFD800  }
0x99: {  	[hbm4b:s25+s4] =	stream.linear.scatter [tilespmem:s29], [sflag:$0x3], $0x2800, $0x38;
	[tilespmem:$0x1B900] =	vst v63  }
0x9a: {  	_ =	swait.ge [sflag:s30], $0x2800  }
0x9b: {  	[sflag:s30] =	ssyncset.done $0x0  }
0x9c: {  	[sflag:s30] =	ssyncadd.s32 $0xFFFFD800  }
0x9d: {  	[tilespmem:s29], [sflag:$0x3] =	stream.linear.gather [spmem:s9], $0x2800, $0x38;
	[tilespmem:$0x1B900] =	vst v63  }
0x9e: {  	_ =	swait.ge [sflag:s30], $0x2800  }
0x9f: {  	[sflag:s30] =	ssyncset.done $0x0  }
0xa0: {  	s17 =	rddreg [dreg:$0x9];
	[sflag:s30] =	ssyncadd.s32 $0xFFFFD800  }
0xa1: {  	[hbm4b:s17+s4] =	stream.linear.scatter [tilespmem:s29], [sflag:$0x3], $0x2800, $0x38;
	[tilespmem:$0x1B900] =	vst v63  }
0xa2: {  	_ =	swait.ge [sflag:s30], $0x2800  }
0xa3: {  	[sflag:s30] =	ssyncset.done $0x0  }
0xa4: {  	[sflag:s30] =	ssyncadd.s32 $0xFFFFD800  }
0xa5: {  	[tilespmem:s29], [sflag:$0x3] =	stream.linear.gather [spmem:s10], $0x2800, $0x38;
	[tilespmem:$0x1B900] =	vst v63  }
0xa6: {  	_ =	swait.ge [sflag:s30], $0x2800  }
0xa7: {  	[sflag:s30] =	ssyncset.done $0x0  }
0xa8: {  	s18 =	rddreg [dreg:$0xa];
	[sflag:s30] =	ssyncadd.s32 $0xFFFFD800  }
0xa9: {  	[hbm4b:s18+s4] =	stream.linear.scatter [tilespmem:s29], [sflag:$0x3], $0x2800, $0x38;
	[tilespmem:$0x1B900] =	vst v63  }
0xaa: {  	_ =	swait.ge [sflag:s30], $0x2800  }
0xab: {  	[sflag:s30] =	ssyncset.done $0x0  }
0xac: {  	[sflag:s30] =	ssyncadd.s32 $0xFFFFD800  }
0xad: {  	[tilespmem:s29], [sflag:$0x3] =	stream.linear.gather [spmem:s11], $0x2800, $0x38;
	[tilespmem:$0x1B900] =	vst v63  }
0xae: {  	_ =	swait.ge [sflag:s30], $0x2800  }
0xaf: {  	[sflag:s30] =	ssyncset.done $0x0  }
0xb0: {  	s25 =	rddreg [dreg:$0xb];
	[sflag:s30] =	ssyncadd.s32 $0xFFFFD800  }
0xb1: {  	[hbm4b:s25+s4] =	stream.linear.scatter [tilespmem:s29], [sflag:$0x3], $0x2800, $0x38;
	[tilespmem:$0x1B900] =	vst v63  }
0xb2: {  	_ =	swait.ge [sflag:s30], $0x2800  }
0xb3: {  	[sflag:s30] =	ssyncset.done $0x0  }
0xb4: {  	[sflag:s30] =	ssyncadd.s32 $0xFFFFD800  }
0xb5: {  	[tilespmem:s29], [sflag:$0x3] =	stream.linear.gather [spmem:s26], $0x2800, $0x38;
	[tilespmem:$0x1B900] =	vst v63  }
0xb6: {  	_ =	swait.ge [sflag:s30], $0x2800  }
0xb7: {  	[sflag:s30] =	ssyncset.done $0x0  }
0xb8: {  	[sflag:s30] =	ssyncadd.s32 $0xFFFFD800  }
0xb9: {  	[hbm4b:s19+s4] =	stream.linear.scatter [tilespmem:s29], [sflag:$0x3], $0x2800, $0x38;
	[tilespmem:$0x1B900] =	vst v63  }
0xba: {  	_ =	swait.ge [sflag:s30], $0x2800  }
0xbb: {  	[sflag:s30] =	ssyncset.done $0x0  }
0xbc: {  	[sflag:s30] =	ssyncadd.s32 $0xFFFFD800  }
0xbd: {  	[tilespmem:s29], [sflag:$0x3] =	stream.linear.gather [spmem:s28], $0x2800, $0x38;
	[tilespmem:$0x1B900] =	vst v63  }
0xbe: {  	_ =	swait.ge [sflag:s30], $0x2800  }
0xbf: {  	[sflag:s30] =	ssyncset.done $0x0  }
0xc0: {  	[sflag:s30] =	ssyncadd.s32 $0xFFFFD800  }
0xc1: {  	[hbm4b:s20+s4] =	stream.linear.scatter [tilespmem:s29], [sflag:$0x3], $0x2800, $0x38;
	[tilespmem:$0x1B900] =	vst v63  }
0xc2: {  	_ =	swait.ge [sflag:s30], $0x2800  }
0xc3: {  	[sflag:s30] =	ssyncset.done $0x0  }
0xc4: {  	[sflag:s30] =	ssyncadd.s32 $0xFFFFD800  }
0xc5: {  	[tilespmem:s31], [sflag:$0x3] =	stream.linear.gather [spmem:s12], $0x2800, $0x38;
	[tilespmem:$0x1B900] =	vst v63  }
0xc6: {  	s14 =	sadd.s32 $0x1, s14;
	_ =	swait.ge [sflag:s30], $0x2800  }
0xc7: {  	p0 =	sne.s32 s14, s22;
	[sflag:s30] =	ssyncset.done $0x0  }
.Ltmp1:
0xc8: {  	[sflag:s30] =	ssyncadd.s32 $0xFFFFD800;
	(pc) =	sbr.rel @p0 .LBB2_1-.Ltmp1, $4  }
0xc9: {  	[hbm4b:s21+s4] =	stream.linear.scatter [tilespmem:s31], [sflag:$0x3], $0x2800, $0x38;
	[tilespmem:$0x1B900] =	vst v63  }
0xca: {  	_ =	swait.ge [sflag:s30], $0x2800  }
0xcb: {  	[sflag:s30] =	ssyncset.done $0x0  }
0xcc: {  	[sflag:s30] =	ssyncadd.s32 $0xFFFFD800  }
0xcd: {  	_ =	sfence.sel $0x180000  }
0xce: {  	[bflag:$0x0] =	sbarrier.arrive $0xFFFF  }
0xcf: {  	_ =	strace $0x9000004A  }
0xd0: {  	s0 =	stileid.u32;
	[bflag:$0x2] =	sbarrier.arrive $0xFFFF  }
0xd1: {  	p0 =	sne.s32 s0, $0x0;
	s0 =	rddreg [dreg:$0x4]  }
0xd2: {  	s0 =	sadd.s32 @!p0 $0x100000, s0  }
0xd3: {  	[sflag:s0] =	ssyncadd.tile.s32 @!p0 $0x1;
	_ =	shalt  }
.Lfunc_end2:
_tile_overlayer_lowered:
.L_overlay_start_2:
0xd4: {  	(tag) =	ssettag $0x2  }
0xd5: {  	s0 =	rddreg [dreg:$0x0];
	s2 =	stileid.u32  }
0xd6: {  	s1 =	rddreg [dreg:$0x1];
	p0 =	sne.s32 s2, $0x0  }
0xd7: {  	s3 =	rddreg [dreg:$0x2];
	[bflag:$0x3] =	sbarrier.arrive $0xFFFF;
	s2 =	simm.s32 @!p0 $0x1C03  }
0xd8: {  	[timem:s3], [sflag:s2] =	dma.local @!p0 [hbm:s0], s1  }
0xd9: {  	s0 =	simm.s32 @!p0 $0x3  }
0xda: {  	_ =	swait.ge @!p0 [sflag:s0], s1  }
0xdb: {  	s1 =	ssub.s32 @!p0 $0x0, s1;
	[sflag:s0] =	ssyncset.done @!p0 $0x0  }
0xdc: {  	[sflag:s0] =	ssyncadd.s32 @!p0 s1  }
0xdd: {  	[bflag:$0x3] =	sbarrier.arrive $0xFFFF  }
0xde: {  	_ =	shalt  }

// kernel: kernel.7.cloned.1.call-start
scs
__scs_entry_jumppad:
0x0: {  	(pc) =	sbr.rel $0x88, $3  }
0x1: {  	(tag) =	ssettag $0x0;
	lr =	simm.s32 $0x1  }
0x2: {  	[smem:$0x3F97] =	sst lr;
	_ =	strace $0xD0000000  }
0x3: {  	_ = 	snop  }
0x4: {  	_ = 	snop  }
0x5: {  	_ = 	snop  }
0x6: {  	_ = 	snop  }
0x7: {  	_ = 	snop  }
__scs_overlays_trampoline_lowered:
0x8: {  	[smem:$0x3FA6] =	sst s0  }
0x9: {  	[smem:$0x3FA7] =	sst s1  }
0xa: {  	[smem:$0x3FA8] =	sst s2  }
0xb: {  	[smem:$0x3FA9] =	sst s3  }
0xc: {  	[smem:$0x3FAA] =	sst s4  }
0xd: {  	[smem:$0x3FAB] =	sst s5  }
0xe: {  	[smem:$0x3FAC] =	sst s6  }
0xf: {  	[smem:$0x3FAD] =	sst s7  }
0x10: {  	[smem:$0x3FAE] =	sst s8  }
0x11: {  	[smem:$0x3FAF] =	sst s9;
	s0 =	simm.s32 @!p0 $0x0  }
0x12: {  	s1 =	sld [smem:$0x3F95];
	s0 =	simm.s32 @p0 $0x1  }
0x13: {  	[smem:$0x3FB0] =	sst s0;
	s0 =	simm.s32 @!p1 $0x0  }
0x14: {  	s2 =	sld [smem:$0x3F94];
	s0 =	simm.s32 @p1 $0x1  }
0x15: {  	[smem:$0x3FB1] =	sst s0;
	s0 =	simm.s32 @!p2 $0x0  }
0x16: {  	s3 =	sld [smem:$0x3FDB];
	s0 =	simm.s32 @p2 $0x1  }
0x17: {  	s4 =	simm.s32 $0x1BF5;
	[smem:$0x3FB3] =	sst s0  }
0x18: {  	s0 =	sld [smem:$0x3F96];
	_ =	swait.ge [sflag:s4], $0x0  }
0x19: {  	s7 =	sld [smem:$0x3F97]  }
0x1a: {  	s8 =	sadd.s32 $0xFFFFE003, lr  }
0x1b: {  	s9 =	sadd.s32 $0xFFFFFEF7, lr;
	s5 =	simm.s32 $0xFFFFFFFF;
	p2 =	slt.u32 s8, $0xFFFFF086  }
0x1c: {  	p1 =	slt.u32 s9, $0xF7A;
	s5 =	simm.s32 @!p2 $0x0  }
0x1d: {  	s5 =	simm.s32 @p1 $0x1;
	p0 =	seq.s32 s7, s2  }
0x1e: {  	s7 =	smul.u32 @!p0 $0xF7A, s2;
	p2 =	seq.s32 @!p0 s5, $0x0  }
0x1f: {  	s9 =	smul.u32 $0xF7A, s1;
	s8 =	simm.s32 @!p0 $0x1BF5;
	p2 =	por !p2, p0  }
0x20: {  	[sflag:s8] =	ssyncset.s32 @!p0 $0xFFFFF086;
	s6 =	sadd.s32 @!p0 s3, s7;
	s7 =	simm.s32 @!p0 $0x108  }
0x21: {  	s3 =	sadd.s32 s3, s9;
	s6 =	sadd.s32 @!p0 $0x88, s6;
	s7 =	simm.s32 @p2 $0x1082  }
0x22: {  	[simem:s7], [sflag:s8] =	dma.local @!p0 [hbm:s6], $0xF7A  }
0x23: {  	s9 =	sor.u32 $0xD0000000, s2;
	s6 =	simm.s32 $0x108;
	_ =	swait.ge @!p0 [sflag:s8], $0x0  }
0x24: {  	s3 =	sadd.s32 $0x88, s3;
	s6 =	simm.s32 @!p1 $0x1082;
	[sflag:s4] =	ssyncset.s32 $0xFFFFF086  }
0x25: {  	[simem:s6], [sflag:s4] =	dma.local [hbm:s3], $0xF7A  }
0x26: {  	[smem:$0x3F97] =	sst s1;
	(tag) =	ssettag s2;
	_ =	strace s9  }
0x27: {  	s1 =	sld [smem:$0x3FA7]  }
0x28: {  	s2 =	sld [smem:$0x3FA8]  }
0x29: {  	s4 =	sld [smem:$0x3FAA]  }
0x2a: {  	p0 =	seq.s32 s5, $0x0;
	s5 =	sld [smem:$0x3FAB]  }
0x2b: {  	s6 =	sld [smem:$0x3FAC]  }
0x2c: {  	s7 =	sld [smem:$0x3FAD]  }
0x2d: {  	s3 =	simm.s32 $0x108;
	s8 =	sld [smem:$0x3FAE]  }
0x2e: {  	s3 =	simm.s32 @!p0 $0x1082;
	s9 =	sld [smem:$0x3FAF]  }
0x2f: {  	lr =	sadd.s32 s0, s3;
	s0 =	sld [smem:$0x3FA6]  }
0x30: {  	s3 =	sld [smem:$0x3FA9]  }
0x31: {  	[smem:$0x3FB2] =	sst s10  }
0x32: {  	s10 =	sld [smem:$0x3FB0];
	_ =	sdelay $0x3  }
0x33: {  	p0 =	seq.s32 s10, $0x1;
	s10 =	sld [smem:$0x3FB2];
	_ =	sdelay $0x3  }
0x34: {  	[smem:$0x3FB2] =	sst s10  }
0x35: {  	s10 =	sld [smem:$0x3FB1];
	_ =	sdelay $0x3  }
0x36: {  	p1 =	seq.s32 s10, $0x1;
	s10 =	sld [smem:$0x3FB2];
	_ =	sdelay $0x3  }
0x37: {  	[smem:$0x3FB2] =	sst s10  }
0x38: {  	s10 =	sld [smem:$0x3FB3]  }
0x39: {  	_ = 	snop;
	(pc) =	sbr.ind lr, $3  }
0x3a: {  	_ = 	snop  }
0x3b: {  	_ = 	snop  }
0x3c: {  	p2 =	seq.s32 s10, $0x1;
	s10 =	sld [smem:$0x3FB2]  }
0x3d: {  	_ =	shalt  }
0x3e: {  	_ =	shalt  }
0x3f: {  	_ =	shalt  }
0x40: {  	_ =	shalt  }
0x41: {  	_ =	shalt  }
0x42: {  	_ =	shalt  }
0x43: {  	_ =	shalt  }
0x44: {  	_ =	shalt  }
0x45: {  	_ =	shalt  }
0x46: {  	_ =	shalt  }
0x47: {  	_ =	shalt  }
0x48: {  	_ =	shalt  }
0x49: {  	_ =	shalt  }
0x4a: {  	_ =	shalt  }
0x4b: {  	_ =	shalt  }
0x4c: {  	_ =	shalt  }
0x4d: {  	_ =	shalt  }
0x4e: {  	_ =	shalt  }
0x4f: {  	_ =	shalt  }
0x50: {  	_ =	shalt  }
0x51: {  	_ =	shalt  }
0x52: {  	_ =	shalt  }
0x53: {  	_ =	shalt  }
0x54: {  	_ =	shalt  }
0x55: {  	_ =	shalt  }
0x56: {  	_ =	shalt  }
0x57: {  	_ =	shalt  }
0x58: {  	_ =	shalt  }
0x59: {  	_ =	shalt  }
0x5a: {  	_ =	shalt  }
0x5b: {  	_ =	shalt  }
0x5c: {  	_ =	shalt  }
0x5d: {  	_ =	shalt  }
0x5e: {  	_ =	shalt  }
0x5f: {  	_ =	shalt  }
0x60: {  	_ =	shalt  }
0x61: {  	_ =	shalt  }
0x62: {  	_ =	shalt  }
0x63: {  	_ =	shalt  }
0x64: {  	_ =	shalt  }
0x65: {  	_ =	shalt  }
0x66: {  	_ =	shalt  }
0x67: {  	_ =	shalt  }
0x68: {  	_ =	shalt  }
0x69: {  	_ =	shalt  }
0x6a: {  	_ =	shalt  }
0x6b: {  	_ =	shalt  }
0x6c: {  	_ =	shalt  }
0x6d: {  	_ =	shalt  }
0x6e: {  	_ =	shalt  }
0x6f: {  	_ =	shalt  }
0x70: {  	_ =	shalt  }
0x71: {  	_ =	shalt  }
0x72: {  	_ =	shalt  }
0x73: {  	_ =	shalt  }
0x74: {  	_ =	shalt  }
0x75: {  	_ =	shalt  }
0x76: {  	_ =	shalt  }
0x77: {  	_ =	shalt  }
0x78: {  	_ =	shalt  }
0x79: {  	_ =	shalt  }
0x7a: {  	_ =	shalt  }
0x7b: {  	_ =	shalt  }
0x7c: {  	_ =	shalt  }
0x7d: {  	_ =	shalt  }
0x7e: {  	_ =	shalt  }
0x7f: {  	_ =	shalt  }
0x80: {  	_ =	shalt  }
0x81: {  	_ =	shalt  }
0x82: {  	_ =	shalt  }
0x83: {  	_ =	shalt  }
0x84: {  	_ =	shalt  }
0x85: {  	_ =	shalt  }
0x86: {  	_ =	shalt  }
0x87: {  	_ =	shalt  }
.Lfunc_end0:
.L_simem_size_0:
called_computation_lowered:
.L_overlay_start_0:
0x88: {  	s2 =	sld [smem:$0x3FD9]  }
0x89: {  	s3 =	sld [smem:$0x3FFE];
	_ =	sdelay $0x1  }
0x8a: {  	s1 =	srdreg.scid  }
0x8b: {  	s0 =	sand.u32 $0x1, s1  }
0x8c: {  	s17 =	sshll.u32 s0, $0xA;
	s2 =	sadd.s32 s3, s2  }
0x8d: {  	s2 =	sadd.s32 s2, s17  }
0x8e: {  	[smem:$0x3FBE] =	sst s2  }
0x8f: {  	_ = 	snop  }
0x90: {  	s2 =	sld [smem:$0x3FD0];
	(tm) =	ssettm $0x1  }
0x91: {  	s18 =	sld [smem:$0x3FFB];
	_ =	sdelay $0x3  }
0x92: {  	_ =	strace s18  }
0x93: {  	s3 =	sld [smem:$0x3FFC];
	_ =	sdelay $0x3  }
0x94: {  	_ =	strace s3  }
0x95: {  	s3 =	sld [smem:$0x3FFD];
	_ =	sdelay $0x3  }
0x96: {  	_ =	strace s3  }
0x97: {  	_ =	strace $0x8FFFFFFF  }
0x98: {  	s19 =	sld [smem:$0x3FDB];
	_ =	sdelay $0x1  }
0x99: {  	s4 =	simm.s32 $_scs_section_size  }
0x9a: {  	s5 =	simm.s32 $_size__tile_overlayer_lowered;
	s6 =	simm.s32 $_tile_overlayer_lowered  }
0x9b: {  	s22 =	simm.s32 $0x1BFF;
	s21 =	sshll.u32 s6, $0x1;
	s3 =	sadd.s32 s4, s19  }
0x9c: {  	s7 =	simm.s32 $0x0;
	s20 =	sshll.u32 s5, $0x1;
	s5 =	sadd.s32 s21, s3  }
0x9d: {  	[timem:s7], [sflag:s22] =	dma.local [hbm:s5], s20  }
0x9e: {  	_ =	swait.ge [sflag:s22], s20  }
0x9f: {  	s4 =	ssub.s32 $0x0, s20;
	[sflag:s22] =	ssyncset.done $0x0  }
0xa0: {  	[sflag:s22] =	ssyncadd.s32 s4;
	_ =	sdelay $0x1  }
0xa1: {  	s23 =	simm.s32 $0x1B8B  }
0xa2: {  	_ =	swait.ge [sflag:s23], $0x1  }
0xa3: {  	[sflag:s23] =	ssyncset.done $0x0  }
0xa4: {  	s25 =	simm.s32 $0x1B8E;
	s24 =	sld [smem:$0x3FFE];
	[sflag:s23] =	ssyncadd.s32 $0xFFFFFFFF  }
0xa5: {  	s26 =	simm.s32 $execute0_lowered;
	[smem:$0x3FD2] =	sst s25  }
0xa6: {  	s5 =	sshll.u32 s26, $0x1;
	_ =	strace $0x80000046;
	[dreg:$0x1] =	wrdreg $0xFFFFFFFF  }
0xa7: {  	s28 =	simm.s32 $_size_execute0_lowered;
	s3 =	sadd.s32 s3, s5;
	[dreg:$0x0] =	wrdreg $0x0  }
0xa8: {  	s5 =	sshll.u32 s28, $0x1;
	[dreg:$0x2] =	wrdreg s3  }
0xa9: {  	[dreg:$0x3] =	wrdreg s5  }
0xaa: {  	[dreg:$0x4] =	wrdreg $0xC0  }
0xab: {  	_ =	task [dreg:s7], $0x5FFFF  }
0xac: {  	[dreg:$0x1] =	wrdreg $0xFFFFFFFF  }
0xad: {  	[dreg:$0x0] =	wrdreg $0x60  }
0xae: {  	[dreg:$0x2] =	wrdreg s2  }
0xaf: {  	[dreg:$0x3] =	wrdreg s24  }
0xb0: {  	[dreg:$0x4] =	wrdreg $0x9  }
0xb1: {  	_ =	task.clear_ibuf [dreg:s7], $0x5FFFF;
	_ =	strace $0x90000046  }
0xb2: {  	s29 =	simm.s32 $0x9;
	_ =	strace $0x80000048  }
0xb3: {  	_ =	swait.ge [sflag:s29], $0x1  }
0xb4: {  	[sflag:s29] =	ssyncadd.s32 $0xFFFFFFFF  }
0xb5: {  	_ =	strace $0x90000048  }
0xb6: {  	_ =	sfence  }
0xb7: {  	s30 =	sld [smem:$0x0];
	_ =	sdelay $0x2  }
0xb8: {  	s31 =	sshll.u32 s1, $0xD;
	s1 =	sshrl.u32 s1, $0x2  }
0xb9: {  	s3 =	sand.u32 $0x4000, s31;
	s1 =	sadd.s32 s1, s30  }
0xba: {  	s0 =	sor.u32 s3, s0;
	s1 =	sshll.u32 s1, $0x11  }
0xbb: {  	s0 =	sor.u32 s1, s0  }
0xbc: {  	s0 =	sadd.s32 $0x8F2B, s0  }
0xbd: {  	[sflag:s0] =	ssyncadd.remote.s32 $0x1  }
0xbe: {  	_ =	sfence.sel $0xFFFF  }
0xbf: {  	[dreg:$0x0] =	wrdreg $0xFFFFFFFF;
	(pc) =	sbr.abs _section_cstart, $3  }
0xc0: {  	[dreg:$0x1] =	wrdreg $0xFFFFFFFF  }
0xc1: {  	_ =	task.clear_ibuf [dreg:s7], $0x2FFFF;
	_ =	strace $0x9FFFFFFF  }
0xc2: {  	(tm) =	ssettm $0x7FFFFFFF  }
0xc3: {  	_ =	shalt  }
tec
execute0_lowered:
.L_overlay_start_1:
0x0: {  	(tag) =	ssettag $0x1  }
0x1: {  	s1 =	rddreg [dreg:$0x0]  }
0x2: {  	s0 =	rddreg [dreg:$0x1];
	s3 =	simm.s32 $0x0  }
0x3: {  	s2 =	srdreg.scid;
	s14 =	stileid.u32;
	s28 =	simm.s32 $0x5  }
0x4: {  	s29 =	simm.s32 $0x7;
	s30 =	simm.s32 $0x200;
	s31 =	simm.s32 $0x5200  }
0x5: {  	[smem:$0x7FF] =	sst s3;
	s4 =	sadd.s32 $0x16A00, s0;
	s16 =	smul.u32 $0x4E20, s14  }
0x6: {  	s2 =	sand.u32 $0x1, s2;
	s7 =	sshll.u32 s14, $0x1;
	s23 =	smul.u32 $0x4E200, s14  }
0x7: {  	s5 =	sadd.s32 $0x2E00, s0;
	s6 =	sadd.s32 $0xCC00, s0;
	s13 =	smul.u32 $0x2710, s2  }
0x8: {  	s7 =	sor.u32 s2, s7;
	s9 =	ssub.s32 $0x2, s2;
	s2 =	smul.u32 $0x27100, s2  }
0x9: {  	s8 =	sadd.s32 $0x3DC00, s0;
	s0 =	sadd.s32 $0x51FC00, s0;
	s10 =	smul.u32 $0x2710, s7  }
0xa: {  	_ =	strace $0x80000047;
	s11 =	sshrl.u32 s9, $0x1;
	s7 =	smul.u32 $0x138800, s7  }
0xb: {  	s9 =	ssub.s32 s9, s11;
	s20 =	sadd.s32 s13, s16;
	s11 =	simm.s32 $0x0  }
0xc: {  	s10 =	sshrl.u32 s10, $0x3;
	s7 =	sshrl.u32 s7, $0x3;
	s22 =	sadd.s32 $0xF0, s20  }
0xd: {  	s9 =	smax.u32 s9, $0x1;
	s26 =	sadd.s32 $0xA0, s20;
	s20 =	simm.s32 $0x80  }
0xe: {  	s12 =	sadd.s32 s5, s10;
	s17 =	sadd.s32 $0xA, s10;
	[dreg:$0x9] =	wrdreg s9  }
0xf: {  	s10 =	sadd.s32 s6, s10;
	s7 =	sadd.s32 $0x26C00, s7;
	[dreg:$0xc] =	wrdreg s26  }
0x10: {  	s24 =	sshrl.u32 s22, $0x3;
	s22 =	simm.s32 $0x1;
	[dreg:$0x3] =	wrdreg s12  }
0x11: {  	s26 =	simm.s32 $0x7A00;
	[dreg:$0x4] =	wrdreg s10;
	s18 =	sadd.s32 s5, s17  }
0x12: {  	s19 =	sadd.s32 s6, s17;
	s21 =	sadd.s32 s8, s7;
	[dreg:$0x5] =	wrdreg s18  }
0x13: {  	s7 =	sadd.s32 s0, s7;
	s25 =	sadd.s32 s24, s6;
	[dreg:$0x6] =	wrdreg s19  }
0x14: {  	s8 =	sadd.s32 s23, s8;
	s0 =	sadd.s32 s23, s0;
	[dreg:$0x7] =	wrdreg s21  }
.Ltmp0:
0x15: {  	s23 =	simm.s32 $0x3;
	[dreg:$0x8] =	wrdreg s7;
	(pc) =	sbr.rel .LBB2_1-.Ltmp0, $4  }
0x16: {  	[dreg:$0xa] =	wrdreg s25;
	s7 =	sadd.s32 s24, s5;
	s16 =	sadd.s32 s2, s8  }
0x17: {  	s17 =	sadd.s32 s2, s0;
	s19 =	simm.s32 $0x100;
	s21 =	simm.s32 $0x180  }
0x18: {  	s24 =	simm.s32 $0x50;
	s25 =	simm.s32 $0x2A00;
	s0 =	simm.s32 $0x6  }
0x19: {  	s2 =	simm.s32 $0x8;
	s8 =	simm.s32 $0xB;
	[dreg:$0xb] =	wrdreg s7  }
.LBB2_4:
0x1a: {  	_ =	swait.ge [sflag:s22], $0x50  }
0x1b: {  	[sflag:s22] =	ssyncset.done $0x0  }
0x1c: {  	[sflag:s22] =	ssyncadd.s32 $0xFFFFFFB0  }
0x1d: {  	_ =	swait.ge [sflag:s23], $0x50  }
0x1e: {  	[sflag:s23] =	ssyncset.done $0x0  }
0x1f: {  	s9 =	simm.s32 $0x9;
	[sflag:s23] =	ssyncadd.s32 $0xFFFFFFB0  }
0x20: {  	_ =	swait.ge [sflag:s9], $0x2800  }
0x21: {  	[sflag:s9] =	ssyncset.done $0x0  }
0x22: {  	[sflag:s9] =	ssyncadd.s32 $0xFFFFD800  }
0x23: {  	_ =	swait.ge [sflag:s8], $0x2800  }
0x24: {  	[sflag:s8] =	ssyncset.done $0x0  }
0x25: {  	[sflag:s8] =	ssyncadd.s32 $0xFFFFD800  }
0x26: {  	[tilespmem:s30], [sflag:$0x5] =	stream.indirect.gather [hbm4b:s1+s24], $0x80, s3, s24, $0xb8;
	[tilespmem:$0xA200] =	vst v63  }
0x27: {  	_ = 	snop  }
0x28: {  	[tilespmem:s31], [sflag:$0x7] =	stream.indirect.gather [hbm4b:s4+s24], $0x80, s19, s24, $0xb8;
	[tilespmem:$0xA200] =	vst v63  }
0x29: {  	_ =	swait.ge [sflag:s28], $0x2800  }
0x2a: {  	[sflag:s28] =	ssyncset.done $0x0  }
0x2b: {  	[sflag:s28] =	ssyncadd.s32 $0xFFFFD800  }
0x2c: {  	_ =	swait.ge [sflag:s29], $0x2800  }
0x2d: {  	[sflag:s29] =	ssyncset.done $0x0  }
0x2e: {  	s7 =	rddreg [dreg:$0x7];
	[sflag:s29] =	ssyncadd.s32 $0xFFFFD800  }
0x2f: {  	[hbm4b:s7+s3] =	stream.linear.scatter [tilespmem:s30], [sflag:$0x9], $0x2800, $0x38;
	[tilespmem:$0xA200] =	vst v63  }
0x30: {  	s13 =	rddreg [dreg:$0x8]  }
0x31: {  	[hbm4b:s13+s3] =	stream.linear.scatter [tilespmem:s31], [sflag:$0xB], $0x2800, $0x38;
	[tilespmem:$0xA200] =	vst v63  }
0x32: {  	_ =	swait.ge [sflag:s9], $0x2800  }
0x33: {  	[sflag:s9] =	ssyncset.done $0x0  }
0x34: {  	[sflag:s9] =	ssyncadd.s32 $0xFFFFD800  }
0x35: {  	_ =	swait.ge [sflag:s8], $0x2800  }
0x36: {  	[sflag:s8] =	ssyncset.done $0x0  }
0x37: {  	s14 =	simm.s32 $0xA;
	[sflag:s8] =	ssyncadd.s32 $0xFFFFD800  }
0x38: {  	_ =	swait.ge [sflag:s14], $0x2800  }
0x39: {  	[sflag:s14] =	ssyncset.done $0x0  }
0x3a: {  	s15 =	simm.s32 $0xC;
	[sflag:s14] =	ssyncadd.s32 $0xFFFFD800  }
0x3b: {  	_ =	swait.ge [sflag:s15], $0x2800  }
0x3c: {  	s11 =	sadd.s32 $0x1, s11;
	s18 =	rddreg [dreg:$0x9]  }
0x3d: {  	p0 =	sne.s32 s11, s18  }
.Ltmp1:
0x3e: {  	_ = 	snop;
	(pc) =	sbr.rel @!p0 .LBB2_5-.Ltmp1, $3  }
0x3f: {  	_ =	sdelay $0x1  }
0x40: {  	[sflag:s15] =	ssyncset.done $0x0  }
0x41: {  	[sflag:s15] =	ssyncadd.s32 $0xFFFFD800  }
.LBB2_1:
0x42: {  	s7 =	rddreg [dreg:$0x3]  }
0x43: {  	s14 =	rddreg [dreg:$0x4]  }
0x44: {  	s15 =	rddreg [dreg:$0x5]  }
0x45: {  	[tilespmem:s3], [sflag:$0x1] =	stream.linear.gather [hbm4b:s7+s3], $0x50, $0x38;
	[tilespmem:$0xA200] =	vst v63  }
0x46: {  	s18 =	rddreg [dreg:$0x6]  }
0x47: {  	[tilespmem:s19], [sflag:$0x3] =	stream.linear.gather [hbm4b:s14+s3], $0x50, $0x38;
	[tilespmem:$0xA200] =	vst v63  }
0x48: {  	s14 =	rddreg [dreg:$0xa]  }
0x49: {  	[tilespmem:s20], [sflag:$0x2] =	stream.linear.gather [hbm4b:s15+s3], $0x50, $0x38;
	[tilespmem:$0xA200] =	vst v63  }
0x4a: {  	s15 =	rddreg [dreg:$0xb]  }
0x4b: {  	[tilespmem:s21], [sflag:$0x4] =	stream.linear.gather [hbm4b:s18+s3], $0x50, $0x38;
	[tilespmem:$0xA200] =	vst v63  }
0x4c: {  	s13 =	simm.s32 $0x0;
	s18 =	rddreg [dreg:$0xc]  }
.LBB2_2:
0x4d: {  	_ =	swait.ge [sflag:s22], $0x50  }
0x4e: {  	[sflag:s22] =	ssyncset.done $0x0  }
0x4f: {  	[sflag:s22] =	ssyncadd.s32 $0xFFFFFFB0  }
0x50: {  	p0 =	seq.s32 s13, $0x0;
	_ =	swait.ge [sflag:s23], $0x50  }
0x51: {  	s12 =	simm.s32 @p0 $0x50;
	[sflag:s23] =	ssyncset.done $0x0  }
0x52: {  	s9 =	simm.s32 @p0 $0x0;
	s10 =	simm.s32 @p0 $0x200;
	[sflag:s23] =	ssyncadd.s32 $0xFFFFFFB0  }
0x53: {  	[tilespmem:s10], [sflag:$0x5] =	stream.indirect.gather @p0 [hbm4b:s1+s12], $0x80, s9, s12, $0xb8;
	[tilespmem:$0xA200] =	vst v63  }
0x54: {  	s9 =	simm.s32 @p0 $0x100;
	s10 =	simm.s32 @p0 $0x5200  }
0x55: {  	[tilespmem:s10], [sflag:$0x7] =	stream.indirect.gather @p0 [hbm4b:s4+s12], $0x80, s9, s12, $0xb8;
	[tilespmem:$0xA200] =	vst v63  }
0x56: {  	s9 =	simm.s32 @p0 $0x2  }
0x57: {  	_ =	swait.ge @p0 [sflag:s9], $0x50  }
0x58: {  	[sflag:s9] =	ssyncset.done @p0 $0x0  }
0x59: {  	[sflag:s9] =	ssyncadd.s32 @p0 $0xFFFFFFB0;
	s9 =	simm.s32 @p0 $0x4  }
0x5a: {  	_ =	swait.ge @p0 [sflag:s9], $0x50  }
0x5b: {  	[sflag:s9] =	ssyncset.done @p0 $0x0  }
0x5c: {  	[sflag:s9] =	ssyncadd.s32 @p0 $0xFFFFFFB0;
	s9 =	simm.s32 @!p0 $0x9  }
0x5d: {  	_ =	swait.ge @!p0 [sflag:s9], $0x2800  }
0x5e: {  	[sflag:s9] =	ssyncset.done @!p0 $0x0  }
0x5f: {  	[sflag:s9] =	ssyncadd.s32 @!p0 $0xFFFFD800;
	s9 =	simm.s32 @!p0 $0xB  }
0x60: {  	_ =	swait.ge @!p0 [sflag:s9], $0x2800  }
0x61: {  	s10 =	simm.s32 @!p0 $0x0;
	[sflag:s9] =	ssyncset.done @!p0 $0x0  }
0x62: {  	s12 =	simm.s32 @!p0 $0x200;
	[sflag:s9] =	ssyncadd.s32 @!p0 $0xFFFFD800;
	s9 =	simm.s32 @!p0 $0x50  }
0x63: {  	[tilespmem:s12], [sflag:$0x5] =	stream.indirect.gather @!p0 [hbm4b:s1+s9], $0x80, s10, s9, $0xb8;
	[tilespmem:$0xA200] =	vst v63  }
0x64: {  	s10 =	simm.s32 @!p0 $0x100;
	s12 =	simm.s32 @!p0 $0x5200  }
0x65: {  	[tilespmem:s12], [sflag:$0x7] =	stream.indirect.gather @!p0 [hbm4b:s4+s9], $0x80, s10, s9, $0xb8;
	[tilespmem:$0xA200] =	vst v63  }
0x66: {  	s9 =	simm.s32 @!p0 $0x2  }
0x67: {  	_ =	swait.ge @!p0 [sflag:s9], $0x50  }
0x68: {  	[sflag:s9] =	ssyncset.done @!p0 $0x0  }
0x69: {  	[sflag:s9] =	ssyncadd.s32 @!p0 $0xFFFFFFB0;
	s9 =	simm.s32 @!p0 $0x4  }
0x6a: {  	_ =	swait.ge @!p0 [sflag:s9], $0x50  }
0x6b: {  	[sflag:s9] =	ssyncset.done @!p0 $0x0  }
0x6c: {  	[sflag:s9] =	ssyncadd.s32 @!p0 $0xFFFFFFB0;
	s9 =	simm.s32 @!p0 $0xA  }
0x6d: {  	_ =	swait.ge @!p0 [sflag:s9], $0x2800  }
0x6e: {  	[sflag:s9] =	ssyncset.done @!p0 $0x0  }
0x6f: {  	[sflag:s9] =	ssyncadd.s32 @!p0 $0xFFFFD800;
	s9 =	simm.s32 @!p0 $0xC  }
0x70: {  	_ =	swait.ge @!p0 [sflag:s9], $0x2800  }
0x71: {  	[sflag:s9] =	ssyncset.done @!p0 $0x0  }
0x72: {  	[sflag:s9] =	ssyncadd.s32 @!p0 $0xFFFFD800  }
0x73: {  	[tilespmem:s25], [sflag:$0x6] =	stream.indirect.gather [hbm4b:s1+s24], $0x80, s20, s24, $0xb8;
	[tilespmem:$0xA200] =	vst v63  }
0x74: {  	_ = 	snop  }
0x75: {  	[tilespmem:s26], [sflag:$0x8] =	stream.indirect.gather [hbm4b:s4+s24], $0x80, s21, s24, $0xb8;
	[tilespmem:$0xA200] =	vst v63  }
0x76: {  	_ =	swait.ge [sflag:s28], $0x2800  }
0x77: {  	[sflag:s28] =	ssyncset.done $0x0  }
0x78: {  	[sflag:s28] =	ssyncadd.s32 $0xFFFFD800  }
0x79: {  	_ =	swait.ge [sflag:s29], $0x2800  }
0x7a: {  	[sflag:s29] =	ssyncset.done $0x0  }
0x7b: {  	s9 =	sadd.s32 s13, s16;
	[sflag:s29] =	ssyncadd.s32 $0xFFFFD800  }
0x7c: {  	[hbm4b:s9+s3] =	stream.linear.scatter [tilespmem:s30], [sflag:$0x9], $0x2800, $0x38;
	[tilespmem:$0xA200] =	vst v63  }
0x7d: {  	s10 =	sadd.s32 s13, s17;
	s12 =	sshrl.u32 s18, $0x3  }
0x7e: {  	[hbm4b:s10+s3] =	stream.linear.scatter [tilespmem:s31], [sflag:$0xB], $0x2800, $0x38;
	[tilespmem:$0xA200] =	vst v63  }
0x7f: {  	s7 =	sadd.s32 s5, s12  }
0x80: {  	[tilespmem:s3], [sflag:$0x1] =	stream.linear.gather [hbm4b:s7+s3], $0x50, $0x38;
	[tilespmem:$0xA200] =	vst v63  }
0x81: {  	s12 =	sadd.s32 s6, s12  }
0x82: {  	[tilespmem:s19], [sflag:$0x3] =	stream.linear.gather [hbm4b:s12+s3], $0x50, $0x38;
	[tilespmem:$0xA200] =	vst v63  }
0x83: {  	_ =	swait.ge [sflag:s0], $0x2800  }
0x84: {  	[sflag:s0] =	ssyncset.done $0x0  }
0x85: {  	[sflag:s0] =	ssyncadd.s32 $0xFFFFD800  }
0x86: {  	p0 =	seq.s32 s13, $0x26200;
	_ =	swait.ge [sflag:s2], $0x2800  }
.Ltmp2:
0x87: {  	[sflag:s2] =	ssyncset.done $0x0;
	(pc) =	sbr.rel @p0 .LBB2_4-.Ltmp2, $4  }
0x88: {  	s9 =	sadd.s32 $0x500, s9;
	[sflag:s2] =	ssyncadd.s32 $0xFFFFD800  }
0x89: {  	[hbm4b:s9+s3] =	stream.linear.scatter [tilespmem:s25], [sflag:$0xA], $0x2800, $0x38;
	[tilespmem:$0xA200] =	vst v63  }
0x8a: {  	s12 =	sadd.s32 $0x500, s10  }
0x8b: {  	[hbm4b:s12+s3] =	stream.linear.scatter [tilespmem:s26], [sflag:$0xC], $0x2800, $0x38;
	[tilespmem:$0xA200] =	vst v63  }
.Ltmp3:
0x8c: {  	(pc) =	sbr.rel .LBB2_2-.Ltmp3, $4  }
0x8d: {  	[tilespmem:s20], [sflag:$0x2] =	stream.linear.gather [hbm4b:s15+s3], $0x50, $0x38;
	[tilespmem:$0xA200] =	vst v63  }
0x8e: {  	s15 =	sadd.s32 $0x14, s15  }
0x8f: {  	[tilespmem:s21], [sflag:$0x4] =	stream.linear.gather [hbm4b:s14+s3], $0x50, $0x38;
	[tilespmem:$0xA200] =	vst v63  }
0x90: {  	s13 =	sadd.s32 $0xA00, s13;
	s18 =	sadd.s32 $0xA0, s18;
	s14 =	sadd.s32 $0x14, s14  }
.LBB2_5:
0x91: {  	_ =	sfence.sel $0x180000  }
0x92: {  	[bflag:$0x0] =	sbarrier.arrive $0xFFFF  }
0x93: {  	_ =	strace $0x90000047  }
0x94: {  	s0 =	stileid.u32;
	[bflag:$0x2] =	sbarrier.arrive $0xFFFF  }
0x95: {  	p0 =	sne.s32 s0, $0x0;
	s0 =	rddreg [dreg:$0x2]  }
0x96: {  	s0 =	sadd.s32 @!p0 $0x100000, s0  }
0x97: {  	[sflag:s0] =	ssyncadd.tile.s32 @!p0 $0x1;
	_ =	shalt  }
.Lfunc_end2:
_tile_overlayer_lowered:
.L_overlay_start_2:
0x98: {  	(tag) =	ssettag $0x2  }
0x99: {  	s0 =	rddreg [dreg:$0x0];
	s2 =	stileid.u32  }
0x9a: {  	s1 =	rddreg [dreg:$0x1];
	p0 =	sne.s32 s2, $0x0  }
0x9b: {  	s3 =	rddreg [dreg:$0x2];
	[bflag:$0x3] =	sbarrier.arrive $0xFFFF;
	s2 =	simm.s32 @!p0 $0x1C0D  }
0x9c: {  	[timem:s3], [sflag:s2] =	dma.local @!p0 [hbm:s0], s1  }
0x9d: {  	s0 =	simm.s32 @!p0 $0xD  }
0x9e: {  	_ =	swait.ge @!p0 [sflag:s0], s1  }
0x9f: {  	s1 =	ssub.s32 @!p0 $0x0, s1;
	[sflag:s0] =	ssyncset.done @!p0 $0x0  }
0xa0: {  	[sflag:s0] =	ssyncadd.s32 @!p0 s1  }
0xa1: {  	[bflag:$0x3] =	sbarrier.arrive $0xFFFF  }
0xa2: {  	_ =	shalt  }

</sc_bundles>
